<compile_context>
chip_gen: v7x
topology: tpu7x:2x2x1
jax: 0.10.2.dev20260603
libtpu: 0.0.44.dev20260713+nightly
codegen_flags: <defaults>
</compile_context>

<pallas_src>
import functools

import jax
import jax.numpy as jnp
from jax import lax
from jax.experimental import pallas as pl
from jax.experimental.pallas import tpu as pltpu
from jax.experimental.pallas import tpu_sc as plsc

NUM_E = 10000
NUM_K = 500
EMB = 128

_EB = 128
_NTILES = 32


def _sc_mesh():
    return plsc.VectorSubcoreMesh(core_axis_name="c", subcore_axis_name="s")


@functools.partial(jax.jit, static_argnames=("n_pad", "use_w"))
def _sc_wsum_call(dst, w, *, n_pad, use_w):
    EP = dst.shape[0]
    ept = EP // _NTILES
    nchunks = ept // _EB
    rpt = n_pad // 16
    zr = 64 if rpt % 64 == 0 else (32 if rpt % 32 == 0 else 16)
    zreps = rpt // zr
    zeros = jnp.zeros((zr, 128), jnp.float32)
    ones0 = jnp.zeros((_EB, 128), jnp.float32).at[:, 0:16].set(1.0)

    def body(dst_h, wexp_h, zeros_h, ones_h, out_h,
             acc_sh, dstv, wrows, rows, gsem):
        c = lax.axis_index("c")
        s = lax.axis_index("s")
        wid = c * 16 + s
        for r in range(zreps):
            pltpu.sync_copy(zeros_h, acc_sh.at[pl.ds(s * rpt + r * zr, zr)])
        pltpu.sync_copy(ones_h, rows)
        plsc.subcore_barrier()

        def chunk(i, carry):
            e0 = wid * ept + i * _EB
            pltpu.sync_copy(dst_h.at[pl.ds(e0, _EB)], dstv)
            if use_w:
                pltpu.sync_copy(wexp_h.at[pl.ds(e0 * 16, _EB * 16)], wrows)

                def fill(e, cc2):
                    rows[e, pl.ds(16, 16)] = wrows[pl.ds(e * 16, 16)]
                    return cc2
                lax.fori_loop(0, _EB, fill, 0, unroll=False)
            pltpu.sync_copy(rows, acc_sh.at[dstv], add=True)
            return carry

        lax.fori_loop(0, nchunks, chunk, 0, unroll=False)
        plsc.subcore_barrier()
        pltpu.sync_copy(acc_sh.at[pl.ds(s * rpt, rpt)],
                        out_h.at[c, pl.ds(s * rpt, rpt)])

    fn = pl.kernel(
        body,
        out_type=jax.ShapeDtypeStruct((2, n_pad, 128), jnp.float32),
        mesh=_sc_mesh(),
        scratch_types=[
            pltpu.VMEM_SHARED((n_pad, 128), jnp.float32),
            pltpu.VMEM((_EB,), jnp.int32),
            pltpu.VMEM((_EB * 16,), jnp.float32),
            pltpu.VMEM((_EB, 128), jnp.float32),
            pltpu.SemaphoreType.DMA,
        ],
    )
    return fn(dst, w, zeros, ones0)


def _sc_wsum_parts(dst, w, n_dst, use_w=True):
    n_pad = pl.cdiv(n_dst + 1, 512) * 512
    _, dp, wp = _pad_edges(dst, dst, w, n_dst)
    wexp = jnp.broadcast_to(wp[:, None], (wp.shape[0], 16)).reshape(-1)
    return _sc_wsum_call(dp, wexp, n_pad=n_pad, use_w=use_w)


def _sc_wsum(dst, w, n_dst, use_w=True):
    parts = _sc_wsum_parts(dst, w, n_dst, use_w=use_w)
    s = parts[0] + parts[1]
    return s[:n_dst, 0:1], s[:n_dst, 16:17]


@functools.partial(jax.jit, static_argnames=("n_dst", "weighted", "n_pad"))
def _sc_segsum_call(table, src, dst, w, *, n_dst, weighted, n_pad):
    W = table.shape[1]
    EP = src.shape[0]
    ept = EP // _NTILES
    rpt = n_pad // 16
    zr = 64 if rpt % 64 == 0 else (32 if rpt % 32 == 0 else 16)
    zreps = rpt // zr
    zeros = jnp.zeros((zr, W), jnp.float32)

    def scale_rows(rows, wrows, n_e):
        def scale(e, cc2):
            wspl = wrows[pl.ds(e * 16, 16)]
            for j in range(W // 16):
                sl = pl.ds(j * 16, 16)
                rows[e, sl] = rows[e, sl] * wspl
            return cc2
        lax.fori_loop(0, n_e, scale, 0, unroll=4)

    def prologue(acc_sh, zeros_h, s):
        for r in range(zreps):
            pltpu.sync_copy(zeros_h, acc_sh.at[pl.ds(s * rpt + r * zr, zr)])
        plsc.subcore_barrier()

    def epilogue(acc_sh, out_h, c, s):
        plsc.subcore_barrier()
        pltpu.sync_copy(acc_sh.at[pl.ds(s * rpt, rpt)],
                        out_h.at[c, pl.ds(s * rpt, rpt)])

    if W == 128:
        nstages = ept // _EB
        n2 = nstages // 2

        def body(table_h, src_h, dst_h, wexp_h, zeros_h, out_h, acc_sh,
                 sva, dva, wra, rwa, ga,
                 svb, dvb, wrb, rwb, gb):
            c = lax.axis_index("c")
            s = lax.axis_index("s")
            base = (c * 16 + s) * ept
            prologue(acc_sh, zeros_h, s)
            bufA = (sva, dva, wra, rwa, ga)
            bufB = (svb, dvb, wrb, rwb, gb)

            def load(stage, buf):
                sv, dv, wr, rw, g = buf
                e0 = base + stage * _EB
                pltpu.sync_copy(src_h.at[pl.ds(e0, _EB)], sv)
                pltpu.sync_copy(dst_h.at[pl.ds(e0, _EB)], dv)
                if weighted:
                    pltpu.sync_copy(wexp_h.at[pl.ds(e0 * 16, _EB * 16)], wr)
                pltpu.async_copy(table_h.at[sv], rw, g)

            def work(buf):
                sv, dv, wr, rw, g = buf
                pltpu.make_async_copy(table_h.at[sv], rw, g).wait()
                if weighted:
                    scale_rows(rw, wr, _EB)
                pltpu.sync_copy(rw, acc_sh.at[dv], add=True)

            load(0, bufA)

            def pair(i2, carry):
                load(2 * i2 + 1, bufB)
                work(bufA)

                @pl.when(i2 + 1 < n2)
                def _():
                    load(2 * i2 + 2, bufA)
                work(bufB)
                return carry

            lax.fori_loop(0, n2, pair, 0, unroll=False)
            epilogue(acc_sh, out_h, c, s)

        scratch = [pltpu.VMEM_SHARED((n_pad, W), jnp.float32)]
        for _ in range(2):
            scratch += [
                pltpu.VMEM((_EB,), jnp.int32),
                pltpu.VMEM((_EB,), jnp.int32),
                pltpu.VMEM((_EB * 16,), jnp.float32),
                pltpu.VMEM((_EB, W), jnp.float32),
                pltpu.SemaphoreType.DMA,
            ]
    else:
        nchunks = ept // _EB

        def body(table_h, src_h, dst_h, wexp_h, zeros_h, out_h,
                 acc_sh, srcv, dstv, wrows, rows, gsem):
            c = lax.axis_index("c")
            s = lax.axis_index("s")
            wid = c * 16 + s
            prologue(acc_sh, zeros_h, s)

            def chunk(i, carry):
                e0 = wid * ept + i * _EB
                pltpu.sync_copy(src_h.at[pl.ds(e0, _EB)], srcv)
                pltpu.sync_copy(dst_h.at[pl.ds(e0, _EB)], dstv)
                if weighted:
                    pltpu.sync_copy(wexp_h.at[pl.ds(e0 * 16, _EB * 16)],
                                    wrows)
                pltpu.async_copy(table_h.at[srcv], rows, gsem).wait()
                if weighted:
                    scale_rows(rows, wrows, _EB)
                pltpu.sync_copy(rows, acc_sh.at[dstv], add=True)
                return carry

            lax.fori_loop(0, nchunks, chunk, 0, unroll=False)
            epilogue(acc_sh, out_h, c, s)

        scratch = [
            pltpu.VMEM_SHARED((n_pad, W), jnp.float32),
            pltpu.VMEM((_EB,), jnp.int32),
            pltpu.VMEM((_EB,), jnp.int32),
            pltpu.VMEM((_EB * 16,), jnp.float32),
            pltpu.VMEM((_EB, W), jnp.float32),
            pltpu.SemaphoreType.DMA,
        ]

    fn = pl.kernel(
        body,
        out_type=jax.ShapeDtypeStruct((2, n_pad, W), jnp.float32),
        mesh=_sc_mesh(),
        scratch_types=scratch,
    )
    return fn(table, src, dst, w, zeros)


def _pad_edges(src, dst, w, n_dst):
    E = src.shape[0]
    unit = _NTILES * 2 * _EB
    EP = pl.cdiv(E, unit) * unit
    pad = EP - E
    src = jnp.pad(src.astype(jnp.int32), (0, pad))
    dst = jnp.pad(dst.astype(jnp.int32), (0, pad),
                  constant_values=n_dst)
    if w is None:
        w = jnp.ones((E,), jnp.float32)
    w = jnp.pad(w, (0, pad))
    return src, dst, w


def _sc_segsum_parts(table, src, dst, w, n_dst, weighted=True):
    n_pad = pl.cdiv(n_dst + 1, 512) * 512
    sp, dp, wp = _pad_edges(src, dst, w, n_dst)
    wexp = jnp.broadcast_to(wp[:, None], (wp.shape[0], 16)).reshape(-1)
    return _sc_segsum_call(table, sp, dp, wexp, n_dst=n_dst,
                           weighted=weighted, n_pad=n_pad)


def _sc_segsum(table, src, dst, w, n_dst, weighted=True):
    parts = _sc_segsum_parts(table, src, dst, w, n_dst, weighted=weighted)
    return (parts[0] + parts[1])[:n_dst]


def _mm_body(x_ref, w_ref, o_ref):
    o_ref[...] = jnp.dot(x_ref[...], w_ref[...],
                         preferred_element_type=jnp.float32,
                         precision=lax.Precision.HIGHEST)


def _mm(x, w_t, bm=1024):
    m, kdim = x.shape
    n = w_t.shape[1]
    grid = (pl.cdiv(m, bm),)
    return pl.pallas_call(
        _mm_body,
        grid=grid,
        in_specs=[
            pl.BlockSpec((bm, kdim), lambda i: (i, 0)),
            pl.BlockSpec((kdim, n), lambda i: (0, 0)),
        ],
        out_specs=pl.BlockSpec((bm, n), lambda i: (i, 0)),
        out_shape=jax.ShapeDtypeStruct((m, n), jnp.float32),
    )(x, w_t)


def _mmt(x, w):
    return lax.dot_general(x, w, (((1,), (1,)), ((), ())),
                           preferred_element_type=jnp.float32,
                           precision=lax.Precision.HIGHEST)


def _rownorm(v):
    return jnp.maximum(
        jnp.sqrt(jnp.sum(v * v, axis=1, keepdims=True)), 1e-12)


_BM = 1000


def _tc_knowledge(k, A_pr, A_cc, A_sp, c_pr, c_cc, P):

    def body(kr, apr, accr, aspr, cprr, cccr,
             p0s, p0n, p1s, p1n, q0s, q0n, q1s, q1n,
             a0s, a0n, a1s, a1n, attw, w4a, w4b, zo, iio):
        kk = kr[...]
        Ap = apr[...]
        Ac = accr[...]
        As = aspr[...]
        cp = jnp.maximum(cprr[...], 1.0)
        cc2 = jnp.maximum(cccr[...], 1.0)
        cs = jnp.maximum(jnp.sum(As, axis=1, keepdims=True), 1.0)

        def sage(x, A, c, ws, wn):
            nb = jnp.dot(A, x, preferred_element_type=jnp.float32,
                         precision=lax.Precision.HIGHEST) / c
            return _mmt(x, ws[...]) + _mmt(nb, wn[...])

        pr = jax.nn.relu(sage(kk, Ap, cp, p0s, p0n))
        pr = sage(pr, Ap, cp, p1s, p1n)
        ccv = jax.nn.relu(sage(kk, Ac, cc2, q0s, q0n))
        ccv = sage(ccv, Ac, cc2, q1s, q1n)
        ap = jax.nn.relu(sage(kk, As, cs, a0s, a0n))
        ap = sage(ap, As, cs, a1s, a1n)
        pj_pr = jnp.tanh(_mmt(pr, attw[...]))
        pj_cc = jnp.tanh(_mmt(ccv, attw[...]))
        w_pr = jnp.sum(ap * pj_pr) / NUM_K
        w_cc = jnp.sum(ap * pj_cc) / NUM_K
        m = jnp.maximum(w_pr, w_cc)
        e1 = jnp.exp(w_pr - m)
        e2 = jnp.exp(w_cc - m)
        z = (e1 * pr + e2 * ccv) / (e1 + e2)
        zo[...] = z
        iio[...] = _mmt(z, w4a[...]) + _mmt(kk, w4b[...])

    return pl.pallas_call(
        body,
        out_shape=[jax.ShapeDtypeStruct((NUM_K, EMB), jnp.float32),
                   jax.ShapeDtypeStruct((NUM_K, EMB), jnp.float32)],
    )(k, A_pr, A_cc, A_sp, c_pr, c_cc,
      P['pr0_Ws'], P['pr0_Wn'], P['pr1_Ws'], P['pr1_Wn'],
      P['cc0_Ws'], P['cc0_Wn'], P['cc1_Ws'], P['cc1_Wn'],
      P['ap0_Ws'], P['ap0_Wn'], P['ap1_Ws'], P['ap1_Wn'],
      P['ap_att_W'], P['w4_W'][:, :EMB], P['w4_W'][:, EMB:])


def _row_spec(w=EMB):
    return pl.BlockSpec((_BM, w), lambda i: (i, 0))


def _part_spec(w=EMB):
    return pl.BlockSpec((2, _BM, w), lambda i: (0, i, 0))


def _tc_emp1(e_emb, sbp, cbp, P):

    def body(er, sbr, cbr, k0s, k0n, k1s, k1n, w2w, w1a, w1b, o1, o2):
        e = er[...]
        s_b = jnp.sum(sbr[...], axis=0)
        cnt = jnp.sum(cbr[...], axis=0)[:, 0:1]
        neigh = s_b / jnp.maximum(cnt, 1.0)
        hd = jax.nn.relu(_mmt(e, k0s[...]) + _mmt(neigh, k0n[...]))
        hiI = _mmt(_mmt(hd, k1s[...]) + _mmt(neigh, k1n[...]), w2w[...])
        o1[...] = hiI
        o2[...] = _mmt(hiI, w1a[...]) + _mmt(e, w1b[...])

    full = pl.BlockSpec((EMB, EMB), lambda i: (0, 0))
    return pl.pallas_call(
        body,
        grid=(NUM_E // _BM,),
        in_specs=[_row_spec(), _part_spec(), _part_spec(),
                  full, full, full, full, full, full, full],
        out_specs=[_row_spec(), _row_spec()],
        out_shape=[jax.ShapeDtypeStruct((NUM_E, EMB), jnp.float32),
                   jax.ShapeDtypeStruct((NUM_E, EMB), jnp.float32)],
    )(e_emb, sbp, cbp, P['ek0_Ws'], P['ek0_Wn'], P['ek1_Ws'], P['ek1_Wn'],
      P['w2_W'], P['w1_W'][:, :EMB], P['w1_W'][:, EMB:])


def _tc_emp2(src_com, e_emb, h_iI, seep, ccp, sk512, z, w_o512, P):

    def body(scr, er, hir, ser, ccr, skr, zr, wopr,
             e0s, e0n, e1s, e1n, w3w, cba, cbb, wmw, oh, ohm, oso):
        sc_ = scr[...]
        e = er[...]
        s_ee = jnp.sum(ser[...], axis=0)
        cnt = jnp.sum(ccr[...], axis=0)[:, 0:1]
        neigh = s_ee / jnp.maximum(cnt, 1.0)
        hd2 = jax.nn.relu(_mmt(e, e0s[...]) + _mmt(neigh, e0n[...]))
        hiS = _mmt(_mmt(hd2, e1s[...]) + _mmt(neigh, e1n[...]), w3w[...])
        hc = _mmt(hir[...], cba[...]) + _mmt(hiS, cbb[...])
        h = jnp.where(hc >= 0, hc, 0.2 * hc)
        h_ms = _mmt(h, wmw[...])
        hmz = _mmt(h_ms, zr[...])
        so512 = _mmt(hmz, wopr[...]) * skr[...]
        oh[...] = h
        ohm[...] = h_ms
        oso[...] = so512

    full = pl.BlockSpec((EMB, EMB), lambda i: (0, 0))
    return pl.pallas_call(
        body,
        grid=(NUM_E // _BM,),
        in_specs=[_row_spec(), _row_spec(), _row_spec(),
                  _part_spec(), _part_spec(), _row_spec(512),
                  pl.BlockSpec((NUM_K, EMB), lambda i: (0, 0)),
                  pl.BlockSpec((512, NUM_K), lambda i: (0, 0)),
                  full, full, full, full, full, full, full, full],
        out_specs=[_row_spec(), _row_spec(), _row_spec(512)],
        out_shape=[jax.ShapeDtypeStruct((NUM_E, EMB), jnp.float32),
                   jax.ShapeDtypeStruct((NUM_E, EMB), jnp.float32),
                   jax.ShapeDtypeStruct((NUM_E, 512), jnp.float32)],
    )(src_com, e_emb, h_iI, seep, ccp, sk512, z, w_o512,
      P['ee0_Ws'], P['ee0_Wn'], P['ee1_Ws'], P['ee1_Wn'], P['w3_W'],
      P['comb_W'][:, :EMB], P['comb_W'][:, EMB:], P['w_m_W'])


def _tc_tail(xps, up, h, e_emb, z, P):

    def body(x0, x1, x2, x3, ur, hr, er, zr, wow, wih, whh, wsw,
             score_o, lc_o):
        x = jnp.concatenate(
            [jnp.sum(x0[...], axis=0), jnp.sum(x1[...], axis=0),
             jnp.sum(x2[...], axis=0), jnp.sum(x3[...], axis=0)],
            axis=1)[:, :NUM_K]
        u = jnp.sum(ur[...], axis=0)
        t = _mmt(_mmt(u, zr[...]), wow[...])
        y = t - x
        osn = x / _rownorm(x)
        yn = y / _rownorm(y)
        d = jax.nn.relu(yn) - jax.nn.relu(osn)
        sp = jnp.maximum(d, 0.0) + jnp.log1p(jnp.exp(-jnp.abs(d)))
        i = pl.program_id(0)
        prev = jnp.where(i == 0, jnp.zeros((1, 1), jnp.float32), lc_o[...])
        lc_o[...] = prev + jnp.sum(sp, keepdims=True)
        gi = _mmt(hr[...], wih[...])
        gh = _mmt(osn, whh[...])
        H = NUM_K
        r = jax.nn.sigmoid(gi[:, :H] + gh[:, :H])
        zg = jax.nn.sigmoid(gi[:, H:2 * H] + gh[:, H:2 * H])
        n = jnp.tanh(gi[:, 2 * H:] + r * gh[:, 2 * H:])
        os2 = (1.0 - zg) * n + zg * osn
        os2n = os2 / _rownorm(os2)
        ss = _mmt(_mmt(er[...], wsw[...]), zr[...])
        ssn = ss / _rownorm(ss)
        score_o[...] = jax.nn.sigmoid(os2n + ssn)

    full = pl.BlockSpec((EMB, EMB), lambda i: (0, 0))
    return pl.pallas_call(
        body,
        grid=(NUM_E // _BM,),
        in_specs=[_part_spec(), _part_spec(), _part_spec(), _part_spec(),
                  _part_spec(), _row_spec(), _row_spec(),
                  pl.BlockSpec((NUM_K, EMB), lambda i: (0, 0)),
                  pl.BlockSpec((NUM_K, NUM_K), lambda i: (0, 0)),
                  pl.BlockSpec((3 * NUM_K, EMB), lambda i: (0, 0)),
                  pl.BlockSpec((3 * NUM_K, NUM_K), lambda i: (0, 0)),
                  full],
        out_specs=[_row_spec(NUM_K), pl.BlockSpec((1, 1), lambda i: (0, 0))],
        out_shape=[jax.ShapeDtypeStruct((NUM_E, NUM_K), jnp.float32),
                   jax.ShapeDtypeStruct((1, 1), jnp.float32)],
    )(xps[0], xps[1], xps[2], xps[3], up, h, e_emb, z,
      P['w_o_W'], P['gru_Wih'], P['gru_Whh'], P['w_s_W'])


def kernel(params, sk, pr_ew, cc_ew, cf_ew, collab_e, belong_ei, collab_ei,
           pr_ei, cc_ei, sps_ei):
    P = params
    k = P['k_emb']

    pe = P['p_embed']
    wu = P['w_u_W']
    e_emb = _mm(pe, wu.T) + P['w_u_b']

    eye = jnp.eye(NUM_K, 512, dtype=jnp.float32)
    ek = pr_ei.shape[1]
    src3 = jnp.concatenate(
        [pr_ei[0], cc_ei[0], sps_ei[0]]).astype(jnp.int32)
    dst3 = jnp.concatenate(
        [pr_ei[1], cc_ei[1] + 512, sps_ei[1] + 1024]).astype(jnp.int32)
    w3 = jnp.concatenate([pr_ew, cc_ew, jnp.ones((ek,), jnp.float32)])
    A3 = jnp.concatenate(
        [_sc_segsum(jnp.asarray(eye[:, 128 * ci:128 * (ci + 1)]),
                    src3, dst3, w3, 1535, weighted=True)
         for ci in range(4)], axis=1)
    A_pr = A3[0:NUM_K, :NUM_K]
    A_cc = A3[512:512 + NUM_K, :NUM_K]
    A_sp = A3[1024:1024 + NUM_K, :NUM_K]
    dst2 = jnp.concatenate([pr_ei[1], cc_ei[1] + 512]).astype(jnp.int32)
    c2, _ = _sc_wsum(dst2, None, 1024, use_w=False)
    c_pr = jnp.maximum(c2[0:NUM_K], 1.0)
    c_cc = jnp.maximum(c2[512:512 + NUM_K], 1.0)
    z, ii = _tc_knowledge(k, A_pr, A_cc, A_sp, c_pr, c_cc, P)

    bsrc, bdst = belong_ei[0], belong_ei[1]
    sbp = _sc_segsum_parts(ii, bsrc, bdst, None, NUM_E, weighted=False)
    cbp = _sc_wsum_parts(bdst, None, NUM_E, use_w=False)
    h_iI, src_com = _tc_emp1(e_emb, sbp, cbp, P)

    csrc, cdst = collab_ei[0], collab_ei[1]
    seep = _sc_segsum_parts(src_com, csrc, cdst, cf_ew, NUM_E, weighted=True)
    ccp = _sc_wsum_parts(cdst, None, NUM_E, use_w=False)
    sk512 = jnp.pad(sk, ((0, 0), (0, 12)))
    w_o512 = jnp.pad(P['w_o_W'], ((0, 12), (0, 0)))
    h, h_ms, so512 = _tc_emp2(src_com, e_emb, h_iI, seep, ccp, sk512, z,
                              w_o512, P)

    xps = [_sc_segsum_parts(jnp.asarray(so512[:, 128 * ci:128 * (ci + 1)]),
                            csrc, cdst, collab_e, NUM_E, weighted=True)
           for ci in range(4)]
    up = _sc_segsum_parts(h_ms, csrc, cdst, collab_e, NUM_E, weighted=True)
    score, lc = _tc_tail(xps, up, h, e_emb, z, P)
    return score, lc[0, 0] / (NUM_E * NUM_K)

# --- scband reference (transcript-rebuilt; emitter-appended) ---
"""Pipeline reference for scband-cahl-83468394431315 (READ-ONLY COPY).

The authoritative reference and input builder live on the scoring server;
editing this copy changes nothing except your own understanding.
"""

import jax
import jax.numpy as jnp
import numpy as np

NUM_E = 10000
NUM_K = 500
EMB = 128
E_B = 160000
E_C = 160000
E_K = 8000


def _init(key, shape, fan_in):
    return jax.random.normal(key, shape, dtype=jnp.float32) / np.sqrt(float(fan_in))


def setup_inputs():
    kc = [0]

    def nk():
        kc[0] += 1
        return jax.random.fold_in(jax.random.key(0), kc[0])

    P = {}

    def lin(name, out_d, in_d):
        P[name + '_W'] = _init(nk(), (out_d, in_d), in_d)
        P[name + '_b'] = jnp.zeros((out_d,), jnp.float32)

    def sagep(name, in_d, out_d):
        P[name + '_Ws'] = _init(nk(), (out_d, in_d), in_d)
        P[name + '_Wn'] = _init(nk(), (out_d, in_d), in_d)
        P[name + '_b'] = jnp.zeros((out_d,), jnp.float32)

    P['k_emb'] = _init(nk(), (NUM_K, EMB), EMB)
    P['p_embed'] = jax.random.normal(nk(), (NUM_E, 189), dtype=jnp.float32)
    lin('w_u', EMB, 189)
    sagep('pr0', EMB, 8 * EMB)
    sagep('pr1', 8 * EMB, EMB)
    sagep('cc0', EMB, 8 * EMB)
    sagep('cc1', 8 * EMB, EMB)
    sagep('ap0', EMB, EMB)
    sagep('ap1', EMB, EMB)
    lin('ap_att', EMB, EMB)
    lin('w4', EMB, 2 * EMB)
    sagep('ek0', EMB, EMB)
    sagep('ek1', EMB, EMB)
    lin('w2', EMB, EMB)
    lin('w1', EMB, 2 * EMB)
    sagep('ee0', EMB, EMB)
    sagep('ee1', EMB, EMB)
    lin('w3', EMB, EMB)
    lin('comb', EMB, 2 * EMB)
    lin('w_m', EMB, EMB)
    lin('w_o', NUM_K, NUM_K)
    lin('w_s', EMB, EMB)
    P['gru_Wih'] = _init(nk(), (3 * NUM_K, EMB), EMB)
    P['gru_Whh'] = _init(nk(), (3 * NUM_K, NUM_K), NUM_K)
    P['gru_bih'] = jnp.zeros((3 * NUM_K,), jnp.float32)
    P['gru_bhh'] = jnp.zeros((3 * NUM_K,), jnp.float32)

    belong_ei = jnp.stack([
        jax.random.randint(nk(), (E_B,), 0, NUM_K),
        jax.random.randint(nk(), (E_B,), 0, NUM_E),
    ]).astype(jnp.int64)
    collab_ei = jax.random.randint(nk(), (2, E_C), 0, NUM_E).astype(jnp.int64)
    pr_ei = jax.random.randint(nk(), (2, E_K), 0, NUM_K).astype(jnp.int64)
    cc_ei = jax.random.randint(nk(), (2, E_K), 0, NUM_K).astype(jnp.int64)
    sps_ei = jax.random.randint(nk(), (2, E_K), 0, NUM_K).astype(jnp.int64)
    pr_ew = jax.random.uniform(nk(), (E_K,), dtype=jnp.float32)
    cc_ew = jax.random.uniform(nk(), (E_K,), dtype=jnp.float32)
    cf_ew = jax.random.uniform(nk(), (E_C,), dtype=jnp.float32)
    collab_e = jax.random.uniform(nk(), (E_C,), dtype=jnp.float32)
    sk = (jax.random.uniform(nk(), (NUM_E, NUM_K)) < 0.5).astype(jnp.float32)
    return {'params': P, 'sk': sk, 'pr_ew': pr_ew, 'cc_ew': cc_ew, 'cf_ew': cf_ew,
            'collab_e': collab_e, 'belong_ei': belong_ei, 'collab_ei': collab_ei,
            'pr_ei': pr_ei, 'cc_ei': cc_ei, 'sps_ei': sps_ei}


def _lin(x, P, n):
    return x @ P[n + '_W'].T + P[n + '_b']


def _sage(P, n, x_src, x_dst, ei, ew=None):
    src = ei[0]
    dst = ei[1]
    m = x_src[src]
    if ew is not None:
        m = m * ew[:, None]
    nd = x_dst.shape[0]
    s = jax.ops.segment_sum(m, dst, num_segments=nd)
    deg = jax.ops.segment_sum(jnp.ones((dst.shape[0],), m.dtype), dst, num_segments=nd)
    neigh = s / jnp.maximum(deg, 1.0)[:, None]
    return x_dst @ P[n + '_Ws'].T + P[n + '_b'] + neigh @ P[n + '_Wn'].T


def _norm(x):
    return x / jnp.maximum(jnp.linalg.norm(x, axis=1, keepdims=True), 1e-12)


def _gru(P, x, h):
    gi = x @ P['gru_Wih'].T + P['gru_bih']
    gh = h @ P['gru_Whh'].T + P['gru_bhh']
    H = h.shape[1]
    r = jax.nn.sigmoid(gi[:, :H] + gh[:, :H])
    z = jax.nn.sigmoid(gi[:, H:2 * H] + gh[:, H:2 * H])
    n = jnp.tanh(gi[:, 2 * H:] + r * gh[:, 2 * H:])
    return (1.0 - z) * n + z * h


def _forward(P, sk, pr_ew, cc_ew, cf_ew, collab_e, belong_ei, collab_ei, pr_ei, cc_ei, sps_ei):
    e_emb = _lin(P['p_embed'], P, 'w_u')
    k = P['k_emb']
    # JKE: three 2-layer SAGE stacks over knowledge graphs
    pr = jax.nn.relu(_sage(P, 'pr0', k, k, pr_ei, pr_ew))
    pr = _sage(P, 'pr1', pr, pr, pr_ei, pr_ew)
    cc = jax.nn.relu(_sage(P, 'cc0', k, k, cc_ei, cc_ew))
    cc = _sage(P, 'cc1', cc, cc, cc_ei, cc_ew)
    ap = jax.nn.relu(_sage(P, 'ap0', k, k, sps_ei))
    ap = _sage(P, 'ap1', ap, ap, sps_ei)
    zst = jnp.stack([pr, cc], axis=1)
    proj = jnp.tanh(zst @ P['ap_att_W'].T + P['ap_att_b'])
    w = jnp.sum(ap[:, None, :] * proj, axis=-1, keepdims=True).mean(0)
    beta = jax.nn.softmax(w, axis=0)
    z = (beta * zst).sum(axis=1)
    # EE
    ii = _lin(jnp.concatenate([z, k], axis=1), P, 'w4')
    hd = jax.nn.relu(_sage(P, 'ek0', ii, e_emb, belong_ei))
    h_iI = _sage(P, 'ek1', ii, hd, belong_ei)
    h_iI = _lin(h_iI, P, 'w2')
    src_com = _lin(jnp.concatenate([h_iI, e_emb], axis=1), P, 'w1')
    hd = jax.nn.relu(_sage(P, 'ee0', src_com, e_emb, collab_ei, cf_ew))
    h_iS = _sage(P, 'ee1', src_com, hd, collab_ei, cf_ew)
    h_iS = _lin(h_iS, P, 'w3')
    h = jax.nn.leaky_relu(_lin(jnp.concatenate([h_iI, h_iS], axis=1), P, 'comb'), 0.2)
    # CAHL tail
    h_ms = _lin(h, P, 'w_m')
    h_ms1 = _lin(h_ms @ z.T, P, 'w_o')
    so = h_ms1 * sk
    neg_so = h_ms1 * (1.0 - sk)
    src = collab_ei[0]
    dst = collab_ei[1]
    ne = sk.shape[0]
    x = jax.ops.segment_sum(so[src] * collab_e[:, None], dst, num_segments=ne)
    out_score = _norm(x)
    y = jax.ops.segment_sum(neg_so[src] * collab_e[:, None], dst, num_segments=ne)
    neg_out = _norm(y)
    l_c = jnp.mean(jax.nn.softplus(jax.nn.relu(neg_out) - jax.nn.relu(out_score)))
    out_score = _norm(_gru(P, h, out_score))
    self_score = _norm(_lin(e_emb, P, 'w_s') @ z.T)
    score = jax.nn.sigmoid(out_score + self_score)
    return score, l_c


def reference(params, sk, pr_ew, cc_ew, cf_ew, collab_e, belong_ei, collab_ei, pr_ei, cc_ei, sps_ei):
    return _forward(params, sk, pr_ew, cc_ew, cf_ew, collab_e, belong_ei, collab_ei, pr_ei, cc_ei, sps_ei)

if __name__ == "__main__":
    import jax
    _d = setup_inputs()
    print(jax.jit(kernel)(*tuple(_d.values())))

</pallas_src>

<mosaic_0001>
#map = affine_map<(d0, d1) -> (0, 0)>
#map1 = affine_map<(d0, d1) -> (0)>
#map2 = affine_map<(d0, d1) -> (0, 0, 0)>
module attributes {stable_mosaic.version = 14 : i64} {
  func.func @body(%arg0: i32, %arg1: i32, %arg2: memref<500x128xf32, #tpu.memory_space<hbm>>, %arg3: memref<24576xi32, #tpu.memory_space<hbm>>, %arg4: memref<24576xi32, #tpu.memory_space<hbm>>, %arg5: memref<393216xf32, #tpu.memory_space<hbm>>, %arg6: memref<32x128xf32, #tpu.memory_space<hbm>>, %arg7: memref<2x1536x128xf32, #tpu.memory_space<hbm>>, %arg8: memref<1536x128xf32, #tpu.memory_space<vmem_shared>>, %arg9: memref<128xi32, #tpu.memory_space<vmem>>, %arg10: memref<128xi32, #tpu.memory_space<vmem>>, %arg11: memref<2048xf32, #tpu.memory_space<vmem>>, %arg12: memref<128x128xf32, #tpu.memory_space<vmem>>, %arg13: memref<!tpu.dma_semaphore, #tpu.memory_space<semaphore_mem>>, %arg14: memref<128xi32, #tpu.memory_space<vmem>>, %arg15: memref<128xi32, #tpu.memory_space<vmem>>, %arg16: memref<2048xf32, #tpu.memory_space<vmem>>, %arg17: memref<128x128xf32, #tpu.memory_space<vmem>>, %arg18: memref<!tpu.dma_semaphore, #tpu.memory_space<semaphore_mem>>) attributes {dimension_semantics = [#tpu.dimension_semantics<core_parallel>, #tpu.dimension_semantics<subcore_parallel>], iteration_bounds = array<i64: 2, 16>, scalar_prefetch = 0 : i64, scratch_operands = 11 : i64, tpu.core_type = #tpu.core_type<sc_vector_subcore>, window_params = [{transform_indices = #map}, {transform_indices = #map1}, {transform_indices = #map1}, {transform_indices = #map1}, {transform_indices = #map}, {transform_indices = #map2}]} {
    %mul3A = arith.constant 16 : i32
    %mul3A_0 = arith.muli %arg0, %mul3A : i32
    %add3A = arith.addi %mul3A_0, %arg1 : i32
    %mul3A_1 = arith.constant 768 : i32
    %mul3A_2 = arith.muli %add3A, %mul3A_1 : i32
    %mul3A_3 = arith.constant 96 : i32
    %mul3A_4 = arith.muli %arg1, %mul3A_3 : i32
    %add3A_5 = arith.constant 0 : i32
    %add3A_6 = arith.addi %mul3A_4, %add3A_5 : i32
    "tpu.region"() ({
      %run_scoped3A = tpu.sem_alloc : memref<!tpu.dma_semaphore, #tpu.memory_space<semaphore_mem>>
      %dma_start3A_31 = arith.constant 0 : i32
      %dma_start3A_32 = tpu.memref_slice %arg8[%add3A_6, %dma_start3A_31] : memref<1536x128xf32, #tpu.memory_space<vmem_shared>> -> memref<32x128xf32, #tpu.memory_space<vmem_shared>>
      tpu.enqueue_dma source(%arg6 : memref<32x128xf32, #tpu.memory_space<hbm>>) target(%dma_start3A_32 : memref<32x128xf32, #tpu.memory_space<vmem_shared>>) target_semaphore(%run_scoped3A : memref<!tpu.dma_semaphore, #tpu.memory_space<semaphore_mem>>)
      %dma_wait3A = arith.constant 0 : i32
      %dma_wait3A_33 = tpu.memref_slice %arg8[%add3A_6, %dma_wait3A] : memref<1536x128xf32, #tpu.memory_space<vmem_shared>> -> memref<32x128xf32, #tpu.memory_space<vmem_shared>>
      tpu.wait_dma2 semaphore(%run_scoped3A : memref<!tpu.dma_semaphore, #tpu.memory_space<semaphore_mem>>) src(%arg6 : memref<32x128xf32, #tpu.memory_space<hbm>>) dst(%dma_wait3A_33 : memref<32x128xf32, #tpu.memory_space<vmem_shared>>)
      tpu.yield
    }) : () -> ()
    %mul3A_7 = arith.constant 96 : i32
    %mul3A_8 = arith.muli %arg1, %mul3A_7 : i32
    %add3A_9 = arith.constant 32 : i32
    %add3A_10 = arith.addi %mul3A_8, %add3A_9 : i32
    "tpu.region"() ({
      %run_scoped3A = tpu.sem_alloc : memref<!tpu.dma_semaphore, #tpu.memory_space<semaphore_mem>>
      %dma_start3A_31 = arith.constant 0 : i32
      %dma_start3A_32 = tpu.memref_slice %arg8[%add3A_10, %dma_start3A_31] : memref<1536x128xf32, #tpu.memory_space<vmem_shared>> -> memref<32x128xf32, #tpu.memory_space<vmem_shared>>
      tpu.enqueue_dma source(%arg6 : memref<32x128xf32, #tpu.memory_space<hbm>>) target(%dma_start3A_32 : memref<32x128xf32, #tpu.memory_space<vmem_shared>>) target_semaphore(%run_scoped3A : memref<!tpu.dma_semaphore, #tpu.memory_space<semaphore_mem>>)
      %dma_wait3A = arith.constant 0 : i32
      %dma_wait3A_33 = tpu.memref_slice %arg8[%add3A_10, %dma_wait3A] : memref<1536x128xf32, #tpu.memory_space<vmem_shared>> -> memref<32x128xf32, #tpu.memory_space<vmem_shared>>
      tpu.wait_dma2 semaphore(%run_scoped3A : memref<!tpu.dma_semaphore, #tpu.memory_space<semaphore_mem>>) src(%arg6 : memref<32x128xf32, #tpu.memory_space<hbm>>) dst(%dma_wait3A_33 : memref<32x128xf32, #tpu.memory_space<vmem_shared>>)
      tpu.yield
    }) : () -> ()
    %mul3A_11 = arith.constant 96 : i32
    %mul3A_12 = arith.muli %arg1, %mul3A_11 : i32
    %add3A_13 = arith.constant 64 : i32
    %add3A_14 = arith.addi %mul3A_12, %add3A_13 : i32
    "tpu.region"() ({
      %run_scoped3A = tpu.sem_alloc : memref<!tpu.dma_semaphore, #tpu.memory_space<semaphore_mem>>
      %dma_start3A_31 = arith.constant 0 : i32
      %dma_start3A_32 = tpu.memref_slice %arg8[%add3A_14, %dma_start3A_31] : memref<1536x128xf32, #tpu.memory_space<vmem_shared>> -> memref<32x128xf32, #tpu.memory_space<vmem_shared>>
      tpu.enqueue_dma source(%arg6 : memref<32x128xf32, #tpu.memory_space<hbm>>) target(%dma_start3A_32 : memref<32x128xf32, #tpu.memory_space<vmem_shared>>) target_semaphore(%run_scoped3A : memref<!tpu.dma_semaphore, #tpu.memory_space<semaphore_mem>>)
      %dma_wait3A = arith.constant 0 : i32
      %dma_wait3A_33 = tpu.memref_slice %arg8[%add3A_14, %dma_wait3A] : memref<1536x128xf32, #tpu.memory_space<vmem_shared>> -> memref<32x128xf32, #tpu.memory_space<vmem_shared>>
      tpu.wait_dma2 semaphore(%run_scoped3A : memref<!tpu.dma_semaphore, #tpu.memory_space<semaphore_mem>>) src(%arg6 : memref<32x128xf32, #tpu.memory_space<hbm>>) dst(%dma_wait3A_33 : memref<32x128xf32, #tpu.memory_space<vmem_shared>>)
      tpu.yield
    }) : () -> ()
    %barrier3A = arith.constant 0 : index
    tpu.barrier barrier_id(%barrier3A)
    %add3A_15 = arith.constant 0 : i32
    %add3A_16 = arith.addi %mul3A_2, %add3A_15 : i32
    "tpu.region"() ({
      %run_scoped3A = tpu.sem_alloc : memref<!tpu.dma_semaphore, #tpu.memory_space<semaphore_mem>>
      %dma_start3A_31 = tpu.memref_slice %arg3[%add3A_16] : memref<24576xi32, #tpu.memory_space<hbm>> -> memref<128xi32, #tpu.memory_space<hbm>>
      %dma_start3A_32 = tpu.memref_slice %arg3[%add3A_16] : memref<24576xi32, #tpu.memory_space<hbm>> -> memref<128xi32, #tpu.memory_space<hbm>>
      tpu.enqueue_dma source(%dma_start3A_32 : memref<128xi32, #tpu.memory_space<hbm>>) target(%arg9 : memref<128xi32, #tpu.memory_space<vmem>>) target_semaphore(%run_scoped3A : memref<!tpu.dma_semaphore, #tpu.memory_space<semaphore_mem>>)
      %dma_wait3A = tpu.memref_slice %arg3[%add3A_16] : memref<24576xi32, #tpu.memory_space<hbm>> -> memref<128xi32, #tpu.memory_space<hbm>>
      %dma_wait3A_33 = tpu.memref_slice %arg3[%add3A_16] : memref<24576xi32, #tpu.memory_space<hbm>> -> memref<128xi32, #tpu.memory_space<hbm>>
      tpu.wait_dma2 semaphore(%run_scoped3A : memref<!tpu.dma_semaphore, #tpu.memory_space<semaphore_mem>>) src(%dma_wait3A_33 : memref<128xi32, #tpu.memory_space<hbm>>) dst(%arg9 : memref<128xi32, #tpu.memory_space<vmem>>)
      tpu.yield
    }) : () -> ()
    "tpu.region"() ({
      %run_scoped3A = tpu.sem_alloc : memref<!tpu.dma_semaphore, #tpu.memory_space<semaphore_mem>>
      %dma_start3A_31 = tpu.memref_slice %arg4[%add3A_16] : memref<24576xi32, #tpu.memory_space<hbm>> -> memref<128xi32, #tpu.memory_space<hbm>>
      %dma_start3A_32 = tpu.memref_slice %arg4[%add3A_16] : memref<24576xi32, #tpu.memory_space<hbm>> -> memref<128xi32, #tpu.memory_space<hbm>>
      tpu.enqueue_dma source(%dma_start3A_32 : memref<128xi32, #tpu.memory_space<hbm>>) target(%arg10 : memref<128xi32, #tpu.memory_space<vmem>>) target_semaphore(%run_scoped3A : memref<!tpu.dma_semaphore, #tpu.memory_space<semaphore_mem>>)
      %dma_wait3A = tpu.memref_slice %arg4[%add3A_16] : memref<24576xi32, #tpu.memory_space<hbm>> -> memref<128xi32, #tpu.memory_space<hbm>>
      %dma_wait3A_33 = tpu.memref_slice %arg4[%add3A_16] : memref<24576xi32, #tpu.memory_space<hbm>> -> memref<128xi32, #tpu.memory_space<hbm>>
      tpu.wait_dma2 semaphore(%run_scoped3A : memref<!tpu.dma_semaphore, #tpu.memory_space<semaphore_mem>>) src(%dma_wait3A_33 : memref<128xi32, #tpu.memory_space<hbm>>) dst(%arg10 : memref<128xi32, #tpu.memory_space<vmem>>)
      tpu.yield
    }) : () -> ()
    %mul3A_17 = arith.constant 16 : i32
    %mul3A_18 = arith.muli %add3A_16, %mul3A_17 : i32
    "tpu.region"() ({
      %run_scoped3A = tpu.sem_alloc : memref<!tpu.dma_semaphore, #tpu.memory_space<semaphore_mem>>
      %dma_start3A_31 = tpu.memref_slice %arg5[%mul3A_18] : memref<393216xf32, #tpu.memory_space<hbm>> -> memref<2048xf32, #tpu.memory_space<hbm>>
      %dma_start3A_32 = tpu.memref_slice %arg5[%mul3A_18] : memref<393216xf32, #tpu.memory_space<hbm>> -> memref<2048xf32, #tpu.memory_space<hbm>>
      tpu.enqueue_dma source(%dma_start3A_32 : memref<2048xf32, #tpu.memory_space<hbm>>) target(%arg11 : memref<2048xf32, #tpu.memory_space<vmem>>) target_semaphore(%run_scoped3A : memref<!tpu.dma_semaphore, #tpu.memory_space<semaphore_mem>>)
      %dma_wait3A = tpu.memref_slice %arg5[%mul3A_18] : memref<393216xf32, #tpu.memory_space<hbm>> -> memref<2048xf32, #tpu.memory_space<hbm>>
      %dma_wait3A_33 = tpu.memref_slice %arg5[%mul3A_18] : memref<393216xf32, #tpu.memory_space<hbm>> -> memref<2048xf32, #tpu.memory_space<hbm>>
      tpu.wait_dma2 semaphore(%run_scoped3A : memref<!tpu.dma_semaphore, #tpu.memory_space<semaphore_mem>>) src(%dma_wait3A_33 : memref<2048xf32, #tpu.memory_space<hbm>>) dst(%arg11 : memref<2048xf32, #tpu.memory_space<vmem>>)
      tpu.yield
    }) : () -> ()
    %dma_start3A = arith.constant 0 : i32
    %dma_start3A_19 = arith.constant 0 : i32
    %dma_start3A_20 = tpu.memref_slice %arg2[%dma_start3A, %dma_start3A_19] : memref<500x128xf32, #tpu.memory_space<hbm>> -> memref<500x128xf32, #tpu.memory_space<hbm>>
    tpu.enqueue_indirect_dma source(%dma_start3A_20 : memref<500x128xf32, #tpu.memory_space<hbm>>) target(%arg12 : memref<128x128xf32, #tpu.memory_space<vmem>>) offsets(%arg9 : memref<128xi32, #tpu.memory_space<vmem>>) semaphore(%arg13 : memref<!tpu.dma_semaphore, #tpu.memory_space<semaphore_mem>>)
    %scan3A = arith.constant 0 : i32
    %scan3A_21 = arith.constant 0 : i32
    %scan3A_22 = arith.constant 3 : i32
    %scan3A_23 = arith.addi %scan3A_21, %scan3A_22 : i32
    %scan3A_24 = arith.constant 1 : i32
    scf.for %scan3A_31 = %scan3A_21 to %scan3A_23 step %scan3A_24  : i32 {
      %mul3A_32 = arith.constant 2 : i32
      %mul3A_33 = arith.muli %mul3A_32, %scan3A_31 : i32
      %add3A_34 = arith.constant 1 : i32
      %add3A_35 = arith.addi %mul3A_33, %add3A_34 : i32
      %mul3A_36 = arith.constant 128 : i32
      %mul3A_37 = arith.muli %add3A_35, %mul3A_36 : i32
      %add3A_38 = arith.addi %mul3A_2, %mul3A_37 : i32
      "tpu.region"() ({
        %run_scoped3A = tpu.sem_alloc : memref<!tpu.dma_semaphore, #tpu.memory_space<semaphore_mem>>
        %dma_start3A_65 = tpu.memref_slice %arg3[%add3A_38] : memref<24576xi32, #tpu.memory_space<hbm>> -> memref<128xi32, #tpu.memory_space<hbm>>
        %dma_start3A_66 = tpu.memref_slice %arg3[%add3A_38] : memref<24576xi32, #tpu.memory_space<hbm>> -> memref<128xi32, #tpu.memory_space<hbm>>
        tpu.enqueue_dma source(%dma_start3A_66 : memref<128xi32, #tpu.memory_space<hbm>>) target(%arg14 : memref<128xi32, #tpu.memory_space<vmem>>) target_semaphore(%run_scoped3A : memref<!tpu.dma_semaphore, #tpu.memory_space<semaphore_mem>>)
        %dma_wait3A_67 = tpu.memref_slice %arg3[%add3A_38] : memref<24576xi32, #tpu.memory_space<hbm>> -> memref<128xi32, #tpu.memory_space<hbm>>
        %dma_wait3A_68 = tpu.memref_slice %arg3[%add3A_38] : memref<24576xi32, #tpu.memory_space<hbm>> -> memref<128xi32, #tpu.memory_space<hbm>>
        tpu.wait_dma2 semaphore(%run_scoped3A : memref<!tpu.dma_semaphore, #tpu.memory_space<semaphore_mem>>) src(%dma_wait3A_68 : memref<128xi32, #tpu.memory_space<hbm>>) dst(%arg14 : memref<128xi32, #tpu.memory_space<vmem>>)
        tpu.yield
      }) : () -> ()
      "tpu.region"() ({
        %run_scoped3A = tpu.sem_alloc : memref<!tpu.dma_semaphore, #tpu.memory_space<semaphore_mem>>
        %dma_start3A_65 = tpu.memref_slice %arg4[%add3A_38] : memref<24576xi32, #tpu.memory_space<hbm>> -> memref<128xi32, #tpu.memory_space<hbm>>
        %dma_start3A_66 = tpu.memref_slice %arg4[%add3A_38] : memref<24576xi32, #tpu.memory_space<hbm>> -> memref<128xi32, #tpu.memory_space<hbm>>
        tpu.enqueue_dma source(%dma_start3A_66 : memref<128xi32, #tpu.memory_space<hbm>>) target(%arg15 : memref<128xi32, #tpu.memory_space<vmem>>) target_semaphore(%run_scoped3A : memref<!tpu.dma_semaphore, #tpu.memory_space<semaphore_mem>>)
        %dma_wait3A_67 = tpu.memref_slice %arg4[%add3A_38] : memref<24576xi32, #tpu.memory_space<hbm>> -> memref<128xi32, #tpu.memory_space<hbm>>
        %dma_wait3A_68 = tpu.memref_slice %arg4[%add3A_38] : memref<24576xi32, #tpu.memory_space<hbm>> -> memref<128xi32, #tpu.memory_space<hbm>>
        tpu.wait_dma2 semaphore(%run_scoped3A : memref<!tpu.dma_semaphore, #tpu.memory_space<semaphore_mem>>) src(%dma_wait3A_68 : memref<128xi32, #tpu.memory_space<hbm>>) dst(%arg15 : memref<128xi32, #tpu.memory_space<vmem>>)
        tpu.yield
      }) : () -> ()
      %mul3A_39 = arith.constant 16 : i32
      %mul3A_40 = arith.muli %add3A_38, %mul3A_39 : i32
      "tpu.region"() ({
        %run_scoped3A = tpu.sem_alloc : memref<!tpu.dma_semaphore, #tpu.memory_space<semaphore_mem>>
        %dma_start3A_65 = tpu.memref_slice %arg5[%mul3A_40] : memref<393216xf32, #tpu.memory_space<hbm>> -> memref<2048xf32, #tpu.memory_space<hbm>>
        %dma_start3A_66 = tpu.memref_slice %arg5[%mul3A_40] : memref<393216xf32, #tpu.memory_space<hbm>> -> memref<2048xf32, #tpu.memory_space<hbm>>
        tpu.enqueue_dma source(%dma_start3A_66 : memref<2048xf32, #tpu.memory_space<hbm>>) target(%arg16 : memref<2048xf32, #tpu.memory_space<vmem>>) target_semaphore(%run_scoped3A : memref<!tpu.dma_semaphore, #tpu.memory_space<semaphore_mem>>)
        %dma_wait3A_67 = tpu.memref_slice %arg5[%mul3A_40] : memref<393216xf32, #tpu.memory_space<hbm>> -> memref<2048xf32, #tpu.memory_space<hbm>>
        %dma_wait3A_68 = tpu.memref_slice %arg5[%mul3A_40] : memref<393216xf32, #tpu.memory_space<hbm>> -> memref<2048xf32, #tpu.memory_space<hbm>>
        tpu.wait_dma2 semaphore(%run_scoped3A : memref<!tpu.dma_semaphore, #tpu.memory_space<semaphore_mem>>) src(%dma_wait3A_68 : memref<2048xf32, #tpu.memory_space<hbm>>) dst(%arg16 : memref<2048xf32, #tpu.memory_space<vmem>>)
        tpu.yield
      }) : () -> ()
      %dma_start3A_41 = arith.constant 0 : i32
      %dma_start3A_42 = arith.constant 0 : i32
      %dma_start3A_43 = tpu.memref_slice %arg2[%dma_start3A_41, %dma_start3A_42] : memref<500x128xf32, #tpu.memory_space<hbm>> -> memref<500x128xf32, #tpu.memory_space<hbm>>
      tpu.enqueue_indirect_dma source(%dma_start3A_43 : memref<500x128xf32, #tpu.memory_space<hbm>>) target(%arg17 : memref<128x128xf32, #tpu.memory_space<vmem>>) offsets(%arg14 : memref<128xi32, #tpu.memory_space<vmem>>) semaphore(%arg18 : memref<!tpu.dma_semaphore, #tpu.memory_space<semaphore_mem>>)
      %dma_wait3A = arith.constant 0 : i32
      %dma_wait3A_44 = arith.constant 0 : i32
      %dma_wait3A_45 = tpu.memref_slice %arg2[%dma_wait3A, %dma_wait3A_44] : memref<500x128xf32, #tpu.memory_space<hbm>> -> memref<500x128xf32, #tpu.memory_space<hbm>>
      tpu.wait_indirect_dma semaphore(%arg13 : memref<!tpu.dma_semaphore, #tpu.memory_space<semaphore_mem>>) src(%dma_wait3A_45 : memref<500x128xf32, #tpu.memory_space<hbm>>) dst(%arg12 : memref<128x128xf32, #tpu.memory_space<vmem>>)
      %scan3A_46 = arith.constant 0 : i32
      %scan3A_47 = arith.constant 0 : i32
      %scan3A_48 = arith.constant 128 : i32
      %scan3A_49 = arith.addi %scan3A_47, %scan3A_48 : i32
      %scan3A_50 = arith.constant 4 : i32
      scf.for %scan3A_65 = %scan3A_47 to %scan3A_49 step %scan3A_50  : i32 {
        %mul3A_66 = arith.constant 16 : i32
        %mul3A_67 = arith.muli %scan3A_65, %mul3A_66 : i32
        %get3A = arith.index_cast %mul3A_67 : i32 to index
        %get3A_68 = tpu.vector_load %arg11[%get3A] {strides = array<i32>} : memref<2048xf32, #tpu.memory_space<vmem>>, vector<16xf32>,
        %get3A_69 = vector.shape_cast %get3A_68 : vector<16xf32> to vector<16xf32>
        %get3A_70 = arith.index_cast %scan3A_65 : i32 to index
        %get3A_71 = arith.constant 0 : index
        %get3A_72 = tpu.vector_load %arg12[%get3A_70, %get3A_71] {strides = array<i32>} : memref<128x128xf32, #tpu.memory_space<vmem>>, vector<1x16xf32>,
        %get3A_73 = vector.shape_cast %get3A_72 : vector<1x16xf32> to vector<16xf32>
        %mul3A_74 = arith.mulf %get3A_73, %get3A_69 : vector<16xf32>
        %swap3A = arith.index_cast %scan3A_65 : i32 to index
        %swap3A_75 = arith.constant 0 : index
        %swap3A_76 = tpu.vector_load %arg12[%swap3A, %swap3A_75] {strides = array<i32>} : memref<128x128xf32, #tpu.memory_space<vmem>>, vector<1x16xf32>,
        %swap3A_77 = vector.shape_cast %swap3A_76 : vector<1x16xf32> to vector<16xf32>
        %swap3A_78 = vector.shape_cast %mul3A_74 : vector<16xf32> to vector<1x16xf32>
        tpu.vector_store %arg12[%swap3A, %swap3A_75], %swap3A_78 {strides = array<i32>} : memref<128x128xf32, #tpu.memory_space<vmem>>, vector<1x16xf32>,
        %get3A_79 = arith.index_cast %scan3A_65 : i32 to index
        %get3A_80 = arith.constant 16 : index
        %get3A_81 = tpu.vector_load %arg12[%get3A_79, %get3A_80] {strides = array<i32>} : memref<128x128xf32, #tpu.memory_space<vmem>>, vector<1x16xf32>,
        %get3A_82 = vector.shape_cast %get3A_81 : vector<1x16xf32> to vector<16xf32>
        %mul3A_83 = arith.mulf %get3A_82, %get3A_69 : vector<16xf32>
        %swap3A_84 = arith.index_cast %scan3A_65 : i32 to index
        %swap3A_85 = arith.constant 16 : index
        %swap3A_86 = tpu.vector_load %arg12[%swap3A_84, %swap3A_85] {strides = array<i32>} : memref<128x128xf32, #tpu.memory_space<vmem>>, vector<1x16xf32>,
        %swap3A_87 = vector.shape_cast %swap3A_86 : vector<1x16xf32> to vector<16xf32>
        %swap3A_88 = vector.shape_cast %mul3A_83 : vector<16xf32> to vector<1x16xf32>
        tpu.vector_store %arg12[%swap3A_84, %swap3A_85], %swap3A_88 {strides = array<i32>} : memref<128x128xf32, #tpu.memory_space<vmem>>, vector<1x16xf32>,
        %get3A_89 = arith.index_cast %scan3A_65 : i32 to index
        %get3A_90 = arith.constant 32 : index
        %get3A_91 = tpu.vector_load %arg12[%get3A_89, %get3A_90] {strides = array<i32>} : memref<128x128xf32, #tpu.memory_space<vmem>>, vector<1x16xf32>,
        %get3A_92 = vector.shape_cast %get3A_91 : vector<1x16xf32> to vector<16xf32>
        %mul3A_93 = arith.mulf %get3A_92, %get3A_69 : vector<16xf32>
        %swap3A_94 = arith.index_cast %scan3A_65 : i32 to index
        %swap3A_95 = arith.constant 32 : index
        %swap3A_96 = tpu.vector_load %arg12[%swap3A_94, %swap3A_95] {strides = array<i32>} : memref<128x128xf32, #tpu.memory_space<vmem>>, vector<1x16xf32>,
        %swap3A_97 = vector.shape_cast %swap3A_96 : vector<1x16xf32> to vector<16xf32>
        %swap3A_98 = vector.shape_cast %mul3A_93 : vector<16xf32> to vector<1x16xf32>
        tpu.vector_store %arg12[%swap3A_94, %swap3A_95], %swap3A_98 {strides = array<i32>} : memref<128x128xf32, #tpu.memory_space<vmem>>, vector<1x16xf32>,
        %get3A_99 = arith.index_cast %scan3A_65 : i32 to index
        %get3A_100 = arith.constant 48 : index
        %get3A_101 = tpu.vector_load %arg12[%get3A_99, %get3A_100] {strides = array<i32>} : memref<128x128xf32, #tpu.memory_space<vmem>>, vector<1x16xf32>,
        %get3A_102 = vector.shape_cast %get3A_101 : vector<1x16xf32> to vector<16xf32>
        %mul3A_103 = arith.mulf %get3A_102, %get3A_69 : vector<16xf32>
        %swap3A_104 = arith.index_cast %scan3A_65 : i32 to index
        %swap3A_105 = arith.constant 48 : index
        %swap3A_106 = tpu.vector_load %arg12[%swap3A_104, %swap3A_105] {strides = array<i32>} : memref<128x128xf32, #tpu.memory_space<vmem>>, vector<1x16xf32>,
        %swap3A_107 = vector.shape_cast %swap3A_106 : vector<1x16xf32> to vector<16xf32>
        %swap3A_108 = vector.shape_cast %mul3A_103 : vector<16xf32> to vector<1x16xf32>
        tpu.vector_store %arg12[%swap3A_104, %swap3A_105], %swap3A_108 {strides = array<i32>} : memref<128x128xf32, #tpu.memory_space<vmem>>, vector<1x16xf32>,
        %get3A_109 = arith.index_cast %scan3A_65 : i32 to index
        %get3A_110 = arith.constant 64 : index
        %get3A_111 = tpu.vector_load %arg12[%get3A_109, %get3A_110] {strides = array<i32>} : memref<128x128xf32, #tpu.memory_space<vmem>>, vector<1x16xf32>,
        %get3A_112 = vector.shape_cast %get3A_111 : vector<1x16xf32> to vector<16xf32>
        %mul3A_113 = arith.mulf %get3A_112, %get3A_69 : vector<16xf32>
        %swap3A_114 = arith.index_cast %scan3A_65 : i32 to index
        %swap3A_115 = arith.constant 64 : index
        %swap3A_116 = tpu.vector_load %arg12[%swap3A_114, %swap3A_115] {strides = array<i32>} : memref<128x128xf32, #tpu.memory_space<vmem>>, vector<1x16xf32>,
        %swap3A_117 = vector.shape_cast %swap3A_116 : vector<1x16xf32> to vector<16xf32>
        %swap3A_118 = vector.shape_cast %mul3A_113 : vector<16xf32> to vector<1x16xf32>
        tpu.vector_store %arg12[%swap3A_114, %swap3A_115], %swap3A_118 {strides = array<i32>} : memref<128x128xf32, #tpu.memory_space<vmem>>, vector<1x16xf32>,
        %get3A_119 = arith.index_cast %scan3A_65 : i32 to index
        %get3A_120 = arith.constant 80 : index
        %get3A_121 = tpu.vector_load %arg12[%get3A_119, %get3A_120] {strides = array<i32>} : memref<128x128xf32, #tpu.memory_space<vmem>>, vector<1x16xf32>,
        %get3A_122 = vector.shape_cast %get3A_121 : vector<1x16xf32> to vector<16xf32>
        %mul3A_123 = arith.mulf %get3A_122, %get3A_69 : vector<16xf32>
        %swap3A_124 = arith.index_cast %scan3A_65 : i32 to index
        %swap3A_125 = arith.constant 80 : index
        %swap3A_126 = tpu.vector_load %arg12[%swap3A_124, %swap3A_125] {strides = array<i32>} : memref<128x128xf32, #tpu.memory_space<vmem>>, vector<1x16xf32>,
        %swap3A_127 = vector.shape_cast %swap3A_126 : vector<1x16xf32> to vector<16xf32>
        %swap3A_128 = vector.shape_cast %mul3A_123 : vector<16xf32> to vector<1x16xf32>
        tpu.vector_store %arg12[%swap3A_124, %swap3A_125], %swap3A_128 {strides = array<i32>} : memref<128x128xf32, #tpu.memory_space<vmem>>, vector<1x16xf32>,
        %get3A_129 = arith.index_cast %scan3A_65 : i32 to index
        %get3A_130 = arith.constant 96 : index
        %get3A_131 = tpu.vector_load %arg12[%get3A_129, %get3A_130] {strides = array<i32>} : memref<128x128xf32, #tpu.memory_space<vmem>>, vector<1x16xf32>,
        %get3A_132 = vector.shape_cast %get3A_131 : vector<1x16xf32> to vector<16xf32>
        %mul3A_133 = arith.mulf %get3A_132, %get3A_69 : vector<16xf32>
        %swap3A_134 = arith.index_cast %scan3A_65 : i32 to index
        %swap3A_135 = arith.constant 96 : index
        %swap3A_136 = tpu.vector_load %arg12[%swap3A_134, %swap3A_135] {strides = array<i32>} : memref<128x128xf32, #tpu.memory_space<vmem>>, vector<1x16xf32>,
        %swap3A_137 = vector.shape_cast %swap3A_136 : vector<1x16xf32> to vector<16xf32>
        %swap3A_138 = vector.shape_cast %mul3A_133 : vector<16xf32> to vector<1x16xf32>
        tpu.vector_store %arg12[%swap3A_134, %swap3A_135], %swap3A_138 {strides = array<i32>} : memref<128x128xf32, #tpu.memory_space<vmem>>, vector<1x16xf32>,
        %get3A_139 = arith.index_cast %scan3A_65 : i32 to index
        %get3A_140 = arith.constant 112 : index
        %get3A_141 = tpu.vector_load %arg12[%get3A_139, %get3A_140] {strides = array<i32>} : memref<128x128xf32, #tpu.memory_space<vmem>>, vector<1x16xf32>,
        %get3A_142 = vector.shape_cast %get3A_141 : vector<1x16xf32> to vector<16xf32>
        %mul3A_143 = arith.mulf %get3A_142, %get3A_69 : vector<16xf32>
        %swap3A_144 = arith.index_cast %scan3A_65 : i32 to index
        %swap3A_145 = arith.constant 112 : index
        %swap3A_146 = tpu.vector_load %arg12[%swap3A_144, %swap3A_145] {strides = array<i32>} : memref<128x128xf32, #tpu.memory_space<vmem>>, vector<1x16xf32>,
        %swap3A_147 = vector.shape_cast %swap3A_146 : vector<1x16xf32> to vector<16xf32>
        %swap3A_148 = vector.shape_cast %mul3A_143 : vector<16xf32> to vector<1x16xf32>
        tpu.vector_store %arg12[%swap3A_144, %swap3A_145], %swap3A_148 {strides = array<i32>} : memref<128x128xf32, #tpu.memory_space<vmem>>, vector<1x16xf32>,
        %scan3A_149 = arith.constant 1 : i32
        %scan3A_150 = arith.addi %scan3A_65, %scan3A_149 : i32
        %mul3A_151 = arith.constant 16 : i32
        %mul3A_152 = arith.muli %scan3A_150, %mul3A_151 : i32
        %get3A_153 = arith.index_cast %mul3A_152 : i32 to index
        %get3A_154 = tpu.vector_load %arg11[%get3A_153] {strides = array<i32>} : memref<2048xf32, #tpu.memory_space<vmem>>, vector<16xf32>,
        %get3A_155 = vector.shape_cast %get3A_154 : vector<16xf32> to vector<16xf32>
        %get3A_156 = arith.index_cast %scan3A_150 : i32 to index
        %get3A_157 = arith.constant 0 : index
        %get3A_158 = tpu.vector_load %arg12[%get3A_156, %get3A_157] {strides = array<i32>} : memref<128x128xf32, #tpu.memory_space<vmem>>, vector<1x16xf32>,
        %get3A_159 = vector.shape_cast %get3A_158 : vector<1x16xf32> to vector<16xf32>
        %mul3A_160 = arith.mulf %get3A_159, %get3A_155 : vector<16xf32>
        %swap3A_161 = arith.index_cast %scan3A_150 : i32 to index
        %swap3A_162 = arith.constant 0 : index
        %swap3A_163 = tpu.vector_load %arg12[%swap3A_161, %swap3A_162] {strides = array<i32>} : memref<128x128xf32, #tpu.memory_space<vmem>>, vector<1x16xf32>,
        %swap3A_164 = vector.shape_cast %swap3A_163 : vector<1x16xf32> to vector<16xf32>
        %swap3A_165 = vector.shape_cast %mul3A_160 : vector<16xf32> to vector<1x16xf32>
        tpu.vector_store %arg12[%swap3A_161, %swap3A_162], %swap3A_165 {strides = array<i32>} : memref<128x128xf32, #tpu.memory_space<vmem>>, vector<1x16xf32>,
        %get3A_166 = arith.index_cast %scan3A_150 : i32 to index
        %get3A_167 = arith.constant 16 : index
        %get3A_168 = tpu.vector_load %arg12[%get3A_166, %get3A_167] {strides = array<i32>} : memref<128x128xf32, #tpu.memory_space<vmem>>, vector<1x16xf32>,
        %get3A_169 = vector.shape_cast %get3A_168 : vector<1x16xf32> to vector<16xf32>
        %mul3A_170 = arith.mulf %get3A_169, %get3A_155 : vector<16xf32>
        %swap3A_171 = arith.index_cast %scan3A_150 : i32 to index
        %swap3A_172 = arith.constant 16 : index
        %swap3A_173 = tpu.vector_load %arg12[%swap3A_171, %swap3A_172] {strides = array<i32>} : memref<128x128xf32, #tpu.memory_space<vmem>>, vector<1x16xf32>,
        %swap3A_174 = vector.shape_cast %swap3A_173 : vector<1x16xf32> to vector<16xf32>
        %swap3A_175 = vector.shape_cast %mul3A_170 : vector<16xf32> to vector<1x16xf32>
        tpu.vector_store %arg12[%swap3A_171, %swap3A_172], %swap3A_175 {strides = array<i32>} : memref<128x128xf32, #tpu.memory_space<vmem>>, vector<1x16xf32>,
        %get3A_176 = arith.index_cast %scan3A_150 : i32 to index
        %get3A_177 = arith.constant 32 : index
        %get3A_178 = tpu.vector_load %arg12[%get3A_176, %get3A_177] {strides = array<i32>} : memref<128x128xf32, #tpu.memory_space<vmem>>, vector<1x16xf32>,
        %get3A_179 = vector.shape_cast %get3A_178 : vector<1x16xf32> to vector<16xf32>
        %mul3A_180 = arith.mulf %get3A_179, %get3A_155 : vector<16xf32>
        %swap3A_181 = arith.index_cast %scan3A_150 : i32 to index
        %swap3A_182 = arith.constant 32 : index
        %swap3A_183 = tpu.vector_load %arg12[%swap3A_181, %swap3A_182] {strides = array<i32>} : memref<128x128xf32, #tpu.memory_space<vmem>>, vector<1x16xf32>,
        %swap3A_184 = vector.shape_cast %swap3A_183 : vector<1x16xf32> to vector<16xf32>
        %swap3A_185 = vector.shape_cast %mul3A_180 : vector<16xf32> to vector<1x16xf32>
        tpu.vector_store %arg12[%swap3A_181, %swap3A_182], %swap3A_185 {strides = array<i32>} : memref<128x128xf32, #tpu.memory_space<vmem>>, vector<1x16xf32>,
        %get3A_186 = arith.index_cast %scan3A_150 : i32 to index
        %get3A_187 = arith.constant 48 : index
        %get3A_188 = tpu.vector_load %arg12[%get3A_186, %get3A_187] {strides = array<i32>} : memref<128x128xf32, #tpu.memory_space<vmem>>, vector<1x16xf32>,
        %get3A_189 = vector.shape_cast %get3A_188 : vector<1x16xf32> to vector<16xf32>
        %mul3A_190 = arith.mulf %get3A_189, %get3A_155 : vector<16xf32>
        %swap3A_191 = arith.index_cast %scan3A_150 : i32 to index
        %swap3A_192 = arith.constant 48 : index
        %swap3A_193 = tpu.vector_load %arg12[%swap3A_191, %swap3A_192] {strides = array<i32>} : memref<128x128xf32, #tpu.memory_space<vmem>>, vector<1x16xf32>,
        %swap3A_194 = vector.shape_cast %swap3A_193 : vector<1x16xf32> to vector<16xf32>
        %swap3A_195 = vector.shape_cast %mul3A_190 : vector<16xf32> to vector<1x16xf32>
        tpu.vector_store %arg12[%swap3A_191, %swap3A_192], %swap3A_195 {strides = array<i32>} : memref<128x128xf32, #tpu.memory_space<vmem>>, vector<1x16xf32>,
        %get3A_196 = arith.index_cast %scan3A_150 : i32 to index
        %get3A_197 = arith.constant 64 : index
        %get3A_198 = tpu.vector_load %arg12[%get3A_196, %get3A_197] {strides = array<i32>} : memref<128x128xf32, #tpu.memory_space<vmem>>, vector<1x16xf32>,
        %get3A_199 = vector.shape_cast %get3A_198 : vector<1x16xf32> to vector<16xf32>
        %mul3A_200 = arith.mulf %get3A_199, %get3A_155 : vector<16xf32>
        %swap3A_201 = arith.index_cast %scan3A_150 : i32 to index
        %swap3A_202 = arith.constant 64 : index
        %swap3A_203 = tpu.vector_load %arg12[%swap3A_201, %swap3A_202] {strides = array<i32>} : memref<128x128xf32, #tpu.memory_space<vmem>>, vector<1x16xf32>,
        %swap3A_204 = vector.shape_cast %swap3A_203 : vector<1x16xf32> to vector<16xf32>
        %swap3A_205 = vector.shape_cast %mul3A_200 : vector<16xf32> to vector<1x16xf32>
        tpu.vector_store %arg12[%swap3A_201, %swap3A_202], %swap3A_205 {strides = array<i32>} : memref<128x128xf32, #tpu.memory_space<vmem>>, vector<1x16xf32>,
        %get3A_206 = arith.index_cast %scan3A_150 : i32 to index
        %get3A_207 = arith.constant 80 : index
        %get3A_208 = tpu.vector_load %arg12[%get3A_206, %get3A_207] {strides = array<i32>} : memref<128x128xf32, #tpu.memory_space<vmem>>, vector<1x16xf32>,
        %get3A_209 = vector.shape_cast %get3A_208 : vector<1x16xf32> to vector<16xf32>
        %mul3A_210 = arith.mulf %get3A_209, %get3A_155 : vector<16xf32>
        %swap3A_211 = arith.index_cast %scan3A_150 : i32 to index
        %swap3A_212 = arith.constant 80 : index
        %swap3A_213 = tpu.vector_load %arg12[%swap3A_211, %swap3A_212] {strides = array<i32>} : memref<128x128xf32, #tpu.memory_space<vmem>>, vector<1x16xf32>,
        %swap3A_214 = vector.shape_cast %swap3A_213 : vector<1x16xf32> to vector<16xf32>
        %swap3A_215 = vector.shape_cast %mul3A_210 : vector<16xf32> to vector<1x16xf32>
        tpu.vector_store %arg12[%swap3A_211, %swap3A_212], %swap3A_215 {strides = array<i32>} : memref<128x128xf32, #tpu.memory_space<vmem>>, vector<1x16xf32>,
        %get3A_216 = arith.index_cast %scan3A_150 : i32 to index
        %get3A_217 = arith.constant 96 : index
        %get3A_218 = tpu.vector_load %arg12[%get3A_216, %get3A_217] {strides = array<i32>} : memref<128x128xf32, #tpu.memory_space<vmem>>, vector<1x16xf32>,
        %get3A_219 = vector.shape_cast %get3A_218 : vector<1x16xf32> to vector<16xf32>
        %mul3A_220 = arith.mulf %get3A_219, %get3A_155 : vector<16xf32>
        %swap3A_221 = arith.index_cast %scan3A_150 : i32 to index
        %swap3A_222 = arith.constant 96 : index
        %swap3A_223 = tpu.vector_load %arg12[%swap3A_221, %swap3A_222] {strides = array<i32>} : memref<128x128xf32, #tpu.memory_space<vmem>>, vector<1x16xf32>,
        %swap3A_224 = vector.shape_cast %swap3A_223 : vector<1x16xf32> to vector<16xf32>
        %swap3A_225 = vector.shape_cast %mul3A_220 : vector<16xf32> to vector<1x16xf32>
        tpu.vector_store %arg12[%swap3A_221, %swap3A_222], %swap3A_225 {strides = array<i32>} : memref<128x128xf32, #tpu.memory_space<vmem>>, vector<1x16xf32>,
        %get3A_226 = arith.index_cast %scan3A_150 : i32 to index
        %get3A_227 = arith.constant 112 : index
        %get3A_228 = tpu.vector_load %arg12[%get3A_226, %get3A_227] {strides = array<i32>} : memref<128x128xf32, #tpu.memory_space<vmem>>, vector<1x16xf32>,
        %get3A_229 = vector.shape_cast %get3A_228 : vector<1x16xf32> to vector<16xf32>
        %mul3A_230 = arith.mulf %get3A_229, %get3A_155 : vector<16xf32>
        %swap3A_231 = arith.index_cast %scan3A_150 : i32 to index
        %swap3A_232 = arith.constant 112 : index
        %swap3A_233 = tpu.vector_load %arg12[%swap3A_231, %swap3A_232] {strides = array<i32>} : memref<128x128xf32, #tpu.memory_space<vmem>>, vector<1x16xf32>,
        %swap3A_234 = vector.shape_cast %swap3A_233 : vector<1x16xf32> to vector<16xf32>
        %swap3A_235 = vector.shape_cast %mul3A_230 : vector<16xf32> to vector<1x16xf32>
        tpu.vector_store %arg12[%swap3A_231, %swap3A_232], %swap3A_235 {strides = array<i32>} : memref<128x128xf32, #tpu.memory_space<vmem>>, vector<1x16xf32>,
        %scan3A_236 = arith.constant 2 : i32
        %scan3A_237 = arith.addi %scan3A_65, %scan3A_236 : i32
        %mul3A_238 = arith.constant 16 : i32
        %mul3A_239 = arith.muli %scan3A_237, %mul3A_238 : i32
        %get3A_240 = arith.index_cast %mul3A_239 : i32 to index
        %get3A_241 = tpu.vector_load %arg11[%get3A_240] {strides = array<i32>} : memref<2048xf32, #tpu.memory_space<vmem>>, vector<16xf32>,
        %get3A_242 = vector.shape_cast %get3A_241 : vector<16xf32> to vector<16xf32>
        %get3A_243 = arith.index_cast %scan3A_237 : i32 to index
        %get3A_244 = arith.constant 0 : index
        %get3A_245 = tpu.vector_load %arg12[%get3A_243, %get3A_244] {strides = array<i32>} : memref<128x128xf32, #tpu.memory_space<vmem>>, vector<1x16xf32>,
        %get3A_246 = vector.shape_cast %get3A_245 : vector<1x16xf32> to vector<16xf32>
        %mul3A_247 = arith.mulf %get3A_246, %get3A_242 : vector<16xf32>
        %swap3A_248 = arith.index_cast %scan3A_237 : i32 to index
        %swap3A_249 = arith.constant 0 : index
        %swap3A_250 = tpu.vector_load %arg12[%swap3A_248, %swap3A_249] {strides = array<i32>} : memref<128x128xf32, #tpu.memory_space<vmem>>, vector<1x16xf32>,
        %swap3A_251 = vector.shape_cast %swap3A_250 : vector<1x16xf32> to vector<16xf32>
        %swap3A_252 = vector.shape_cast %mul3A_247 : vector<16xf32> to vector<1x16xf32>
        tpu.vector_store %arg12[%swap3A_248, %swap3A_249], %swap3A_252 {strides = array<i32>} : memref<128x128xf32, #tpu.memory_space<vmem>>, vector<1x16xf32>,
        %get3A_253 = arith.index_cast %scan3A_237 : i32 to index
        %get3A_254 = arith.constant 16 : index
        %get3A_255 = tpu.vector_load %arg12[%get3A_253, %get3A_254] {strides = array<i32>} : memref<128x128xf32, #tpu.memory_space<vmem>>, vector<1x16xf32>,
        %get3A_256 = vector.shape_cast %get3A_255 : vector<1x16xf32> to vector<16xf32>
        %mul3A_257 = arith.mulf %get3A_256, %get3A_242 : vector<16xf32>
        %swap3A_258 = arith.index_cast %scan3A_237 : i32 to index
        %swap3A_259 = arith.constant 16 : index
        %swap3A_260 = tpu.vector_load %arg12[%swap3A_258, %swap3A_259] {strides = array<i32>} : memref<128x128xf32, #tpu.memory_space<vmem>>, vector<1x16xf32>,
        %swap3A_261 = vector.shape_cast %swap3A_260 : vector<1x16xf32> to vector<16xf32>
        %swap3A_262 = vector.shape_cast %mul3A_257 : vector<16xf32> to vector<1x16xf32>
        tpu.vector_store %arg12[%swap3A_258, %swap3A_259], %swap3A_262 {strides = array<i32>} : memref<128x128xf32, #tpu.memory_space<vmem>>, vector<1x16xf32>,
        %get3A_263 = arith.index_cast %scan3A_237 : i32 to index
        %get3A_264 = arith.constant 32 : index
        %get3A_265 = tpu.vector_load %arg12[%get3A_263, %get3A_264] {strides = array<i32>} : memref<128x128xf32, #tpu.memory_space<vmem>>, vector<1x16xf32>,
        %get3A_266 = vector.shape_cast %get3A_265 : vector<1x16xf32> to vector<16xf32>
        %mul3A_267 = arith.mulf %get3A_266, %get3A_242 : vector<16xf32>
        %swap3A_268 = arith.index_cast %scan3A_237 : i32 to index
        %swap3A_269 = arith.constant 32 : index
        %swap3A_270 = tpu.vector_load %arg12[%swap3A_268, %swap3A_269] {strides = array<i32>} : memref<128x128xf32, #tpu.memory_space<vmem>>, vector<1x16xf32>,
        %swap3A_271 = vector.shape_cast %swap3A_270 : vector<1x16xf32> to vector<16xf32>
        %swap3A_272 = vector.shape_cast %mul3A_267 : vector<16xf32> to vector<1x16xf32>
        tpu.vector_store %arg12[%swap3A_268, %swap3A_269], %swap3A_272 {strides = array<i32>} : memref<128x128xf32, #tpu.memory_space<vmem>>, vector<1x16xf32>,
        %get3A_273 = arith.index_cast %scan3A_237 : i32 to index
        %get3A_274 = arith.constant 48 : index
        %get3A_275 = tpu.vector_load %arg12[%get3A_273, %get3A_274] {strides = array<i32>} : memref<128x128xf32, #tpu.memory_space<vmem>>, vector<1x16xf32>,
        %get3A_276 = vector.shape_cast %get3A_275 : vector<1x16xf32> to vector<16xf32>
        %mul3A_277 = arith.mulf %get3A_276, %get3A_242 : vector<16xf32>
        %swap3A_278 = arith.index_cast %scan3A_237 : i32 to index
        %swap3A_279 = arith.constant 48 : index
        %swap3A_280 = tpu.vector_load %arg12[%swap3A_278, %swap3A_279] {strides = array<i32>} : memref<128x128xf32, #tpu.memory_space<vmem>>, vector<1x16xf32>,
        %swap3A_281 = vector.shape_cast %swap3A_280 : vector<1x16xf32> to vector<16xf32>
        %swap3A_282 = vector.shape_cast %mul3A_277 : vector<16xf32> to vector<1x16xf32>
        tpu.vector_store %arg12[%swap3A_278, %swap3A_279], %swap3A_282 {strides = array<i32>} : memref<128x128xf32, #tpu.memory_space<vmem>>, vector<1x16xf32>,
        %get3A_283 = arith.index_cast %scan3A_237 : i32 to index
        %get3A_284 = arith.constant 64 : index
        %get3A_285 = tpu.vector_load %arg12[%get3A_283, %get3A_284] {strides = array<i32>} : memref<128x128xf32, #tpu.memory_space<vmem>>, vector<1x16xf32>,
        %get3A_286 = vector.shape_cast %get3A_285 : vector<1x16xf32> to vector<16xf32>
        %mul3A_287 = arith.mulf %get3A_286, %get3A_242 : vector<16xf32>
        %swap3A_288 = arith.index_cast %scan3A_237 : i32 to index
        %swap3A_289 = arith.constant 64 : index
        %swap3A_290 = tpu.vector_load %arg12[%swap3A_288, %swap3A_289] {strides = array<i32>} : memref<128x128xf32, #tpu.memory_space<vmem>>, vector<1x16xf32>,
        %swap3A_291 = vector.shape_cast %swap3A_290 : vector<1x16xf32> to vector<16xf32>
        %swap3A_292 = vector.shape_cast %mul3A_287 : vector<16xf32> to vector<1x16xf32>
        tpu.vector_store %arg12[%swap3A_288, %swap3A_289], %swap3A_292 {strides = array<i32>} : memref<128x128xf32, #tpu.memory_space<vmem>>, vector<1x16xf32>,
        %get3A_293 = arith.index_cast %scan3A_237 : i32 to index
        %get3A_294 = arith.constant 80 : index
        %get3A_295 = tpu.vector_load %arg12[%get3A_293, %get3A_294] {strides = array<i32>} : memref<128x128xf32, #tpu.memory_space<vmem>>, vector<1x16xf32>,
        %get3A_296 = vector.shape_cast %get3A_295 : vector<1x16xf32> to vector<16xf32>
        %mul3A_297 = arith.mulf %get3A_296, %get3A_242 : vector<16xf32>
        %swap3A_298 = arith.index_cast %scan3A_237 : i32 to index
        %swap3A_299 = arith.constant 80 : index
        %swap3A_300 = tpu.vector_load %arg12[%swap3A_298, %swap3A_299] {strides = array<i32>} : memref<128x128xf32, #tpu.memory_space<vmem>>, vector<1x16xf32>,
        %swap3A_301 = vector.shape_cast %swap3A_300 : vector<1x16xf32> to vector<16xf32>
        %swap3A_302 = vector.shape_cast %mul3A_297 : vector<16xf32> to vector<1x16xf32>
        tpu.vector_store %arg12[%swap3A_298, %swap3A_299], %swap3A_302 {strides = array<i32>} : memref<128x128xf32, #tpu.memory_space<vmem>>, vector<1x16xf32>,
        %get3A_303 = arith.index_cast %scan3A_237 : i32 to index
        %get3A_304 = arith.constant 96 : index
        %get3A_305 = tpu.vector_load %arg12[%get3A_303, %get3A_304] {strides = array<i32>} : memref<128x128xf32, #tpu.memory_space<vmem>>, vector<1x16xf32>,
        %get3A_306 = vector.shape_cast %get3A_305 : vector<1x16xf32> to vector<16xf32>
        %mul3A_307 = arith.mulf %get3A_306, %get3A_242 : vector<16xf32>
        %swap3A_308 = arith.index_cast %scan3A_237 : i32 to index
        %swap3A_309 = arith.constant 96 : index
        %swap3A_310 = tpu.vector_load %arg12[%swap3A_308, %swap3A_309] {strides = array<i32>} : memref<128x128xf32, #tpu.memory_space<vmem>>, vector<1x16xf32>,
        %swap3A_311 = vector.shape_cast %swap3A_310 : vector<1x16xf32> to vector<16xf32>
        %swap3A_312 = vector.shape_cast %mul3A_307 : vector<16xf32> to vector<1x16xf32>
        tpu.vector_store %arg12[%swap3A_308, %swap3A_309], %swap3A_312 {strides = array<i32>} : memref<128x128xf32, #tpu.memory_space<vmem>>, vector<1x16xf32>,
        %get3A_313 = arith.index_cast %scan3A_237 : i32 to index
        %get3A_314 = arith.constant 112 : index
        %get3A_315 = tpu.vector_load %arg12[%get3A_313, %get3A_314] {strides = array<i32>} : memref<128x128xf32, #tpu.memory_space<vmem>>, vector<1x16xf32>,
        %get3A_316 = vector.shape_cast %get3A_315 : vector<1x16xf32> to vector<16xf32>
        %mul3A_317 = arith.mulf %get3A_316, %get3A_242 : vector<16xf32>
        %swap3A_318 = arith.index_cast %scan3A_237 : i32 to index
        %swap3A_319 = arith.constant 112 : index
        %swap3A_320 = tpu.vector_load %arg12[%swap3A_318, %swap3A_319] {strides = array<i32>} : memref<128x128xf32, #tpu.memory_space<vmem>>, vector<1x16xf32>,
        %swap3A_321 = vector.shape_cast %swap3A_320 : vector<1x16xf32> to vector<16xf32>
        %swap3A_322 = vector.shape_cast %mul3A_317 : vector<16xf32> to vector<1x16xf32>
        tpu.vector_store %arg12[%swap3A_318, %swap3A_319], %swap3A_322 {strides = array<i32>} : memref<128x128xf32, #tpu.memory_space<vmem>>, vector<1x16xf32>,
        %scan3A_323 = arith.constant 3 : i32
        %scan3A_324 = arith.addi %scan3A_65, %scan3A_323 : i32
        %mul3A_325 = arith.constant 16 : i32
        %mul3A_326 = arith.muli %scan3A_324, %mul3A_325 : i32
        %get3A_327 = arith.index_cast %mul3A_326 : i32 to index
        %get3A_328 = tpu.vector_load %arg11[%get3A_327] {strides = array<i32>} : memref<2048xf32, #tpu.memory_space<vmem>>, vector<16xf32>,
        %get3A_329 = vector.shape_cast %get3A_328 : vector<16xf32> to vector<16xf32>
        %get3A_330 = arith.index_cast %scan3A_324 : i32 to index
        %get3A_331 = arith.constant 0 : index
        %get3A_332 = tpu.vector_load %arg12[%get3A_330, %get3A_331] {strides = array<i32>} : memref<128x128xf32, #tpu.memory_space<vmem>>, vector<1x16xf32>,
        %get3A_333 = vector.shape_cast %get3A_332 : vector<1x16xf32> to vector<16xf32>
        %mul3A_334 = arith.mulf %get3A_333, %get3A_329 : vector<16xf32>
        %swap3A_335 = arith.index_cast %scan3A_324 : i32 to index
        %swap3A_336 = arith.constant 0 : index
        %swap3A_337 = tpu.vector_load %arg12[%swap3A_335, %swap3A_336] {strides = array<i32>} : memref<128x128xf32, #tpu.memory_space<vmem>>, vector<1x16xf32>,
        %swap3A_338 = vector.shape_cast %swap3A_337 : vector<1x16xf32> to vector<16xf32>
        %swap3A_339 = vector.shape_cast %mul3A_334 : vector<16xf32> to vector<1x16xf32>
        tpu.vector_store %arg12[%swap3A_335, %swap3A_336], %swap3A_339 {strides = array<i32>} : memref<128x128xf32, #tpu.memory_space<vmem>>, vector<1x16xf32>,
        %get3A_340 = arith.index_cast %scan3A_324 : i32 to index
        %get3A_341 = arith.constant 16 : index
        %get3A_342 = tpu.vector_load %arg12[%get3A_340, %get3A_341] {strides = array<i32>} : memref<128x128xf32, #tpu.memory_space<vmem>>, vector<1x16xf32>,
        %get3A_343 = vector.shape_cast %get3A_342 : vector<1x16xf32> to vector<16xf32>
        %mul3A_344 = arith.mulf %get3A_343, %get3A_329 : vector<16xf32>
        %swap3A_345 = arith.index_cast %scan3A_324 : i32 to index
        %swap3A_346 = arith.constant 16 : index
        %swap3A_347 = tpu.vector_load %arg12[%swap3A_345, %swap3A_346] {strides = array<i32>} : memref<128x128xf32, #tpu.memory_space<vmem>>, vector<1x16xf32>,
        %swap3A_348 = vector.shape_cast %swap3A_347 : vector<1x16xf32> to vector<16xf32>
        %swap3A_349 = vector.shape_cast %mul3A_344 : vector<16xf32> to vector<1x16xf32>
        tpu.vector_store %arg12[%swap3A_345, %swap3A_346], %swap3A_349 {strides = array<i32>} : memref<128x128xf32, #tpu.memory_space<vmem>>, vector<1x16xf32>,
        %get3A_350 = arith.index_cast %scan3A_324 : i32 to index
        %get3A_351 = arith.constant 32 : index
        %get3A_352 = tpu.vector_load %arg12[%get3A_350, %get3A_351] {strides = array<i32>} : memref<128x128xf32, #tpu.memory_space<vmem>>, vector<1x16xf32>,
        %get3A_353 = vector.shape_cast %get3A_352 : vector<1x16xf32> to vector<16xf32>
        %mul3A_354 = arith.mulf %get3A_353, %get3A_329 : vector<16xf32>
        %swap3A_355 = arith.index_cast %scan3A_324 : i32 to index
        %swap3A_356 = arith.constant 32 : index
        %swap3A_357 = tpu.vector_load %arg12[%swap3A_355, %swap3A_356] {strides = array<i32>} : memref<128x128xf32, #tpu.memory_space<vmem>>, vector<1x16xf32>,
        %swap3A_358 = vector.shape_cast %swap3A_357 : vector<1x16xf32> to vector<16xf32>
        %swap3A_359 = vector.shape_cast %mul3A_354 : vector<16xf32> to vector<1x16xf32>
        tpu.vector_store %arg12[%swap3A_355, %swap3A_356], %swap3A_359 {strides = array<i32>} : memref<128x128xf32, #tpu.memory_space<vmem>>, vector<1x16xf32>,
        %get3A_360 = arith.index_cast %scan3A_324 : i32 to index
        %get3A_361 = arith.constant 48 : index
        %get3A_362 = tpu.vector_load %arg12[%get3A_360, %get3A_361] {strides = array<i32>} : memref<128x128xf32, #tpu.memory_space<vmem>>, vector<1x16xf32>,
        %get3A_363 = vector.shape_cast %get3A_362 : vector<1x16xf32> to vector<16xf32>
        %mul3A_364 = arith.mulf %get3A_363, %get3A_329 : vector<16xf32>
        %swap3A_365 = arith.index_cast %scan3A_324 : i32 to index
        %swap3A_366 = arith.constant 48 : index
        %swap3A_367 = tpu.vector_load %arg12[%swap3A_365, %swap3A_366] {strides = array<i32>} : memref<128x128xf32, #tpu.memory_space<vmem>>, vector<1x16xf32>,
        %swap3A_368 = vector.shape_cast %swap3A_367 : vector<1x16xf32> to vector<16xf32>
        %swap3A_369 = vector.shape_cast %mul3A_364 : vector<16xf32> to vector<1x16xf32>
        tpu.vector_store %arg12[%swap3A_365, %swap3A_366], %swap3A_369 {strides = array<i32>} : memref<128x128xf32, #tpu.memory_space<vmem>>, vector<1x16xf32>,
        %get3A_370 = arith.index_cast %scan3A_324 : i32 to index
        %get3A_371 = arith.constant 64 : index
        %get3A_372 = tpu.vector_load %arg12[%get3A_370, %get3A_371] {strides = array<i32>} : memref<128x128xf32, #tpu.memory_space<vmem>>, vector<1x16xf32>,
        %get3A_373 = vector.shape_cast %get3A_372 : vector<1x16xf32> to vector<16xf32>
        %mul3A_374 = arith.mulf %get3A_373, %get3A_329 : vector<16xf32>
        %swap3A_375 = arith.index_cast %scan3A_324 : i32 to index
        %swap3A_376 = arith.constant 64 : index
        %swap3A_377 = tpu.vector_load %arg12[%swap3A_375, %swap3A_376] {strides = array<i32>} : memref<128x128xf32, #tpu.memory_space<vmem>>, vector<1x16xf32>,
        %swap3A_378 = vector.shape_cast %swap3A_377 : vector<1x16xf32> to vector<16xf32>
        %swap3A_379 = vector.shape_cast %mul3A_374 : vector<16xf32> to vector<1x16xf32>
        tpu.vector_store %arg12[%swap3A_375, %swap3A_376], %swap3A_379 {strides = array<i32>} : memref<128x128xf32, #tpu.memory_space<vmem>>, vector<1x16xf32>,
        %get3A_380 = arith.index_cast %scan3A_324 : i32 to index
        %get3A_381 = arith.constant 80 : index
        %get3A_382 = tpu.vector_load %arg12[%get3A_380, %get3A_381] {strides = array<i32>} : memref<128x128xf32, #tpu.memory_space<vmem>>, vector<1x16xf32>,
        %get3A_383 = vector.shape_cast %get3A_382 : vector<1x16xf32> to vector<16xf32>
        %mul3A_384 = arith.mulf %get3A_383, %get3A_329 : vector<16xf32>
        %swap3A_385 = arith.index_cast %scan3A_324 : i32 to index
        %swap3A_386 = arith.constant 80 : index
        %swap3A_387 = tpu.vector_load %arg12[%swap3A_385, %swap3A_386] {strides = array<i32>} : memref<128x128xf32, #tpu.memory_space<vmem>>, vector<1x16xf32>,
        %swap3A_388 = vector.shape_cast %swap3A_387 : vector<1x16xf32> to vector<16xf32>
        %swap3A_389 = vector.shape_cast %mul3A_384 : vector<16xf32> to vector<1x16xf32>
        tpu.vector_store %arg12[%swap3A_385, %swap3A_386], %swap3A_389 {strides = array<i32>} : memref<128x128xf32, #tpu.memory_space<vmem>>, vector<1x16xf32>,
        %get3A_390 = arith.index_cast %scan3A_324 : i32 to index
        %get3A_391 = arith.constant 96 : index
        %get3A_392 = tpu.vector_load %arg12[%get3A_390, %get3A_391] {strides = array<i32>} : memref<128x128xf32, #tpu.memory_space<vmem>>, vector<1x16xf32>,
        %get3A_393 = vector.shape_cast %get3A_392 : vector<1x16xf32> to vector<16xf32>
        %mul3A_394 = arith.mulf %get3A_393, %get3A_329 : vector<16xf32>
        %swap3A_395 = arith.index_cast %scan3A_324 : i32 to index
        %swap3A_396 = arith.constant 96 : index
        %swap3A_397 = tpu.vector_load %arg12[%swap3A_395, %swap3A_396] {strides = array<i32>} : memref<128x128xf32, #tpu.memory_space<vmem>>, vector<1x16xf32>,
        %swap3A_398 = vector.shape_cast %swap3A_397 : vector<1x16xf32> to vector<16xf32>
        %swap3A_399 = vector.shape_cast %mul3A_394 : vector<16xf32> to vector<1x16xf32>
        tpu.vector_store %arg12[%swap3A_395, %swap3A_396], %swap3A_399 {strides = array<i32>} : memref<128x128xf32, #tpu.memory_space<vmem>>, vector<1x16xf32>,
        %get3A_400 = arith.index_cast %scan3A_324 : i32 to index
        %get3A_401 = arith.constant 112 : index
        %get3A_402 = tpu.vector_load %arg12[%get3A_400, %get3A_401] {strides = array<i32>} : memref<128x128xf32, #tpu.memory_space<vmem>>, vector<1x16xf32>,
        %get3A_403 = vector.shape_cast %get3A_402 : vector<1x16xf32> to vector<16xf32>
        %mul3A_404 = arith.mulf %get3A_403, %get3A_329 : vector<16xf32>
        %swap3A_405 = arith.index_cast %scan3A_324 : i32 to index
        %swap3A_406 = arith.constant 112 : index
        %swap3A_407 = tpu.vector_load %arg12[%swap3A_405, %swap3A_406] {strides = array<i32>} : memref<128x128xf32, #tpu.memory_space<vmem>>, vector<1x16xf32>,
        %swap3A_408 = vector.shape_cast %swap3A_407 : vector<1x16xf32> to vector<16xf32>
        %swap3A_409 = vector.shape_cast %mul3A_404 : vector<16xf32> to vector<1x16xf32>
        tpu.vector_store %arg12[%swap3A_405, %swap3A_406], %swap3A_409 {strides = array<i32>} : memref<128x128xf32, #tpu.memory_space<vmem>>, vector<1x16xf32>,
      }
      %scan3A_51 = arith.constant 128 : i32
      "tpu.region"() ({
        %run_scoped3A = tpu.sem_alloc : memref<!tpu.dma_semaphore, #tpu.memory_space<semaphore_mem>>
        %dma_start3A_65 = arith.constant 0 : i32
        %dma_start3A_66 = arith.constant 0 : i32
        %dma_start3A_67 = tpu.memref_slice %arg8[%dma_start3A_65, %dma_start3A_66] : memref<1536x128xf32, #tpu.memory_space<vmem_shared>> -> memref<1536x128xf32, #tpu.memory_space<vmem_shared>>
        tpu.enqueue_indirect_dma source(%arg12 : memref<128x128xf32, #tpu.memory_space<vmem>>) target(%dma_start3A_67 : memref<1536x128xf32, #tpu.memory_space<vmem_shared>>) offsets(%arg10 : memref<128xi32, #tpu.memory_space<vmem>>) semaphore(%run_scoped3A : memref<!tpu.dma_semaphore, #tpu.memory_space<semaphore_mem>>) {add = true}
        %dma_wait3A_68 = arith.constant 0 : i32
        %dma_wait3A_69 = arith.constant 0 : i32
        %dma_wait3A_70 = tpu.memref_slice %arg8[%dma_wait3A_68, %dma_wait3A_69] : memref<1536x128xf32, #tpu.memory_space<vmem_shared>> -> memref<1536x128xf32, #tpu.memory_space<vmem_shared>>
        tpu.wait_indirect_dma semaphore(%run_scoped3A : memref<!tpu.dma_semaphore, #tpu.memory_space<semaphore_mem>>) src(%arg12 : memref<128x128xf32, #tpu.memory_space<vmem>>) dst(%dma_wait3A_70 : memref<1536x128xf32, #tpu.memory_space<vmem_shared>>)
        tpu.yield
      }) : () -> ()
      %add3A_52 = arith.constant 1 : i32
      %add3A_53 = arith.addi %scan3A_31, %add3A_52 : i32
      %lt3A = arith.constant 3 : i32
      %lt3A_54 = arith.cmpi slt, %add3A_53, %lt3A : i32
      %convert_element_type3A = arith.extui %lt3A_54 : i1 to i32
      %cond3A = arith.constant 0 : i32
      %cond3A_55 = arith.cmpi ne, %convert_element_type3A, %cond3A : i32
      scf.if %cond3A_55 {
        %mul3A_65 = arith.constant 2 : i32
        %mul3A_66 = arith.muli %mul3A_65, %scan3A_31 : i32
        %add3A_67 = arith.constant 2 : i32
        %add3A_68 = arith.addi %mul3A_66, %add3A_67 : i32
        %mul3A_69 = arith.constant 128 : i32
        %mul3A_70 = arith.muli %add3A_68, %mul3A_69 : i32
        %add3A_71 = arith.addi %mul3A_2, %mul3A_70 : i32
        "tpu.region"() ({
          %run_scoped3A = tpu.sem_alloc : memref<!tpu.dma_semaphore, #tpu.memory_space<semaphore_mem>>
          %dma_start3A_77 = tpu.memref_slice %arg3[%add3A_71] : memref<24576xi32, #tpu.memory_space<hbm>> -> memref<128xi32, #tpu.memory_space<hbm>>
          %dma_start3A_78 = tpu.memref_slice %arg3[%add3A_71] : memref<24576xi32, #tpu.memory_space<hbm>> -> memref<128xi32, #tpu.memory_space<hbm>>
          tpu.enqueue_dma source(%dma_start3A_78 : memref<128xi32, #tpu.memory_space<hbm>>) target(%arg9 : memref<128xi32, #tpu.memory_space<vmem>>) target_semaphore(%run_scoped3A : memref<!tpu.dma_semaphore, #tpu.memory_space<semaphore_mem>>)
          %dma_wait3A_79 = tpu.memref_slice %arg3[%add3A_71] : memref<24576xi32, #tpu.memory_space<hbm>> -> memref<128xi32, #tpu.memory_space<hbm>>
          %dma_wait3A_80 = tpu.memref_slice %arg3[%add3A_71] : memref<24576xi32, #tpu.memory_space<hbm>> -> memref<128xi32, #tpu.memory_space<hbm>>
          tpu.wait_dma2 semaphore(%run_scoped3A : memref<!tpu.dma_semaphore, #tpu.memory_space<semaphore_mem>>) src(%dma_wait3A_80 : memref<128xi32, #tpu.memory_space<hbm>>) dst(%arg9 : memref<128xi32, #tpu.memory_space<vmem>>)
          tpu.yield
        }) : () -> ()
        "tpu.region"() ({
          %run_scoped3A = tpu.sem_alloc : memref<!tpu.dma_semaphore, #tpu.memory_space<semaphore_mem>>
          %dma_start3A_77 = tpu.memref_slice %arg4[%add3A_71] : memref<24576xi32, #tpu.memory_space<hbm>> -> memref<128xi32, #tpu.memory_space<hbm>>
          %dma_start3A_78 = tpu.memref_slice %arg4[%add3A_71] : memref<24576xi32, #tpu.memory_space<hbm>> -> memref<128xi32, #tpu.memory_space<hbm>>
          tpu.enqueue_dma source(%dma_start3A_78 : memref<128xi32, #tpu.memory_space<hbm>>) target(%arg10 : memref<128xi32, #tpu.memory_space<vmem>>) target_semaphore(%run_scoped3A : memref<!tpu.dma_semaphore, #tpu.memory_space<semaphore_mem>>)
          %dma_wait3A_79 = tpu.memref_slice %arg4[%add3A_71] : memref<24576xi32, #tpu.memory_space<hbm>> -> memref<128xi32, #tpu.memory_space<hbm>>
          %dma_wait3A_80 = tpu.memref_slice %arg4[%add3A_71] : memref<24576xi32, #tpu.memory_space<hbm>> -> memref<128xi32, #tpu.memory_space<hbm>>
          tpu.wait_dma2 semaphore(%run_scoped3A : memref<!tpu.dma_semaphore, #tpu.memory_space<semaphore_mem>>) src(%dma_wait3A_80 : memref<128xi32, #tpu.memory_space<hbm>>) dst(%arg10 : memref<128xi32, #tpu.memory_space<vmem>>)
          tpu.yield
        }) : () -> ()
        %mul3A_72 = arith.constant 16 : i32
        %mul3A_73 = arith.muli %add3A_71, %mul3A_72 : i32
        "tpu.region"() ({
          %run_scoped3A = tpu.sem_alloc : memref<!tpu.dma_semaphore, #tpu.memory_space<semaphore_mem>>
          %dma_start3A_77 = tpu.memref_slice %arg5[%mul3A_73] : memref<393216xf32, #tpu.memory_space<hbm>> -> memref<2048xf32, #tpu.memory_space<hbm>>
          %dma_start3A_78 = tpu.memref_slice %arg5[%mul3A_73] : memref<393216xf32, #tpu.memory_space<hbm>> -> memref<2048xf32, #tpu.memory_space<hbm>>
          tpu.enqueue_dma source(%dma_start3A_78 : memref<2048xf32, #tpu.memory_space<hbm>>) target(%arg11 : memref<2048xf32, #tpu.memory_space<vmem>>) target_semaphore(%run_scoped3A : memref<!tpu.dma_semaphore, #tpu.memory_space<semaphore_mem>>)
          %dma_wait3A_79 = tpu.memref_slice %arg5[%mul3A_73] : memref<393216xf32, #tpu.memory_space<hbm>> -> memref<2048xf32, #tpu.memory_space<hbm>>
          %dma_wait3A_80 = tpu.memref_slice %arg5[%mul3A_73] : memref<393216xf32, #tpu.memory_space<hbm>> -> memref<2048xf32, #tpu.memory_space<hbm>>
          tpu.wait_dma2 semaphore(%run_scoped3A : memref<!tpu.dma_semaphore, #tpu.memory_space<semaphore_mem>>) src(%dma_wait3A_80 : memref<2048xf32, #tpu.memory_space<hbm>>) dst(%arg11 : memref<2048xf32, #tpu.memory_space<vmem>>)
          tpu.yield
        }) : () -> ()
        %dma_start3A_74 = arith.constant 0 : i32
        %dma_start3A_75 = arith.constant 0 : i32
        %dma_start3A_76 = tpu.memref_slice %arg2[%dma_start3A_74, %dma_start3A_75] : memref<500x128xf32, #tpu.memory_space<hbm>> -> memref<500x128xf32, #tpu.memory_space<hbm>>
        tpu.enqueue_indirect_dma source(%dma_start3A_76 : memref<500x128xf32, #tpu.memory_space<hbm>>) target(%arg12 : memref<128x128xf32, #tpu.memory_space<vmem>>) offsets(%arg9 : memref<128xi32, #tpu.memory_space<vmem>>) semaphore(%arg13 : memref<!tpu.dma_semaphore, #tpu.memory_space<semaphore_mem>>)
      } else {
      }
      %dma_wait3A_56 = arith.constant 0 : i32
      %dma_wait3A_57 = arith.constant 0 : i32
      %dma_wait3A_58 = tpu.memref_slice %arg2[%dma_wait3A_56, %dma_wait3A_57] : memref<500x128xf32, #tpu.memory_space<hbm>> -> memref<500x128xf32, #tpu.memory_space<hbm>>
      tpu.wait_indirect_dma semaphore(%arg18 : memref<!tpu.dma_semaphore, #tpu.memory_space<semaphore_mem>>) src(%dma_wait3A_58 : memref<500x128xf32, #tpu.memory_space<hbm>>) dst(%arg17 : memref<128x128xf32, #tpu.memory_space<vmem>>)
      %scan3A_59 = arith.constant 0 : i32
      %scan3A_60 = arith.constant 0 : i32
      %scan3A_61 = arith.constant 128 : i32
      %scan3A_62 = arith.addi %scan3A_60, %scan3A_61 : i32
      %scan3A_63 = arith.constant 4 : i32
      scf.for %scan3A_65 = %scan3A_60 to %scan3A_62 step %scan3A_63  : i32 {
        %mul3A_66 = arith.constant 16 : i32
        %mul3A_67 = arith.muli %scan3A_65, %mul3A_66 : i32
        %get3A = arith.index_cast %mul3A_67 : i32 to index
        %get3A_68 = tpu.vector_load %arg16[%get3A] {strides = array<i32>} : memref<2048xf32, #tpu.memory_space<vmem>>, vector<16xf32>,
        %get3A_69 = vector.shape_cast %get3A_68 : vector<16xf32> to vector<16xf32>
        %get3A_70 = arith.index_cast %scan3A_65 : i32 to index
        %get3A_71 = arith.constant 0 : index
        %get3A_72 = tpu.vector_load %arg17[%get3A_70, %get3A_71] {strides = array<i32>} : memref<128x128xf32, #tpu.memory_space<vmem>>, vector<1x16xf32>,
        %get3A_73 = vector.shape_cast %get3A_72 : vector<1x16xf32> to vector<16xf32>
        %mul3A_74 = arith.mulf %get3A_73, %get3A_69 : vector<16xf32>
        %swap3A = arith.index_cast %scan3A_65 : i32 to index
        %swap3A_75 = arith.constant 0 : index
        %swap3A_76 = tpu.vector_load %arg17[%swap3A, %swap3A_75] {strides = array<i32>} : memref<128x128xf32, #tpu.memory_space<vmem>>, vector<1x16xf32>,
        %swap3A_77 = vector.shape_cast %swap3A_76 : vector<1x16xf32> to vector<16xf32>
        %swap3A_78 = vector.shape_cast %mul3A_74 : vector<16xf32> to vector<1x16xf32>
        tpu.vector_store %arg17[%swap3A, %swap3A_75], %swap3A_78 {strides = array<i32>} : memref<128x128xf32, #tpu.memory_space<vmem>>, vector<1x16xf32>,
        %get3A_79 = arith.index_cast %scan3A_65 : i32 to index
        %get3A_80 = arith.constant 16 : index
        %get3A_81 = tpu.vector_load %arg17[%get3A_79, %get3A_80] {strides = array<i32>} : memref<128x128xf32, #tpu.memory_space<vmem>>, vector<1x16xf32>,
        %get3A_82 = vector.shape_cast %get3A_81 : vector<1x16xf32> to vector<16xf32>
        %mul3A_83 = arith.mulf %get3A_82, %get3A_69 : vector<16xf32>
        %swap3A_84 = arith.index_cast %scan3A_65 : i32 to index
        %swap3A_85 = arith.constant 16 : index
        %swap3A_86 = tpu.vector_load %arg17[%swap3A_84, %swap3A_85] {strides = array<i32>} : memref<128x128xf32, #tpu.memory_space<vmem>>, vector<1x16xf32>,
        %swap3A_87 = vector.shape_cast %swap3A_86 : vector<1x16xf32> to vector<16xf32>
        %swap3A_88 = vector.shape_cast %mul3A_83 : vector<16xf32> to vector<1x16xf32>
        tpu.vector_store %arg17[%swap3A_84, %swap3A_85], %swap3A_88 {strides = array<i32>} : memref<128x128xf32, #tpu.memory_space<vmem>>, vector<1x16xf32>,
        %get3A_89 = arith.index_cast %scan3A_65 : i32 to index
        %get3A_90 = arith.constant 32 : index
        %get3A_91 = tpu.vector_load %arg17[%get3A_89, %get3A_90] {strides = array<i32>} : memref<128x128xf32, #tpu.memory_space<vmem>>, vector<1x16xf32>,
        %get3A_92 = vector.shape_cast %get3A_91 : vector<1x16xf32> to vector<16xf32>
        %mul3A_93 = arith.mulf %get3A_92, %get3A_69 : vector<16xf32>
        %swap3A_94 = arith.index_cast %scan3A_65 : i32 to index
        %swap3A_95 = arith.constant 32 : index
        %swap3A_96 = tpu.vector_load %arg17[%swap3A_94, %swap3A_95] {strides = array<i32>} : memref<128x128xf32, #tpu.memory_space<vmem>>, vector<1x16xf32>,
        %swap3A_97 = vector.shape_cast %swap3A_96 : vector<1x16xf32> to vector<16xf32>
        %swap3A_98 = vector.shape_cast %mul3A_93 : vector<16xf32> to vector<1x16xf32>
        tpu.vector_store %arg17[%swap3A_94, %swap3A_95], %swap3A_98 {strides = array<i32>} : memref<128x128xf32, #tpu.memory_space<vmem>>, vector<1x16xf32>,
        %get3A_99 = arith.index_cast %scan3A_65 : i32 to index
        %get3A_100 = arith.constant 48 : index
        %get3A_101 = tpu.vector_load %arg17[%get3A_99, %get3A_100] {strides = array<i32>} : memref<128x128xf32, #tpu.memory_space<vmem>>, vector<1x16xf32>,
        %get3A_102 = vector.shape_cast %get3A_101 : vector<1x16xf32> to vector<16xf32>
        %mul3A_103 = arith.mulf %get3A_102, %get3A_69 : vector<16xf32>
        %swap3A_104 = arith.index_cast %scan3A_65 : i32 to index
        %swap3A_105 = arith.constant 48 : index
        %swap3A_106 = tpu.vector_load %arg17[%swap3A_104, %swap3A_105] {strides = array<i32>} : memref<128x128xf32, #tpu.memory_space<vmem>>, vector<1x16xf32>,
        %swap3A_107 = vector.shape_cast %swap3A_106 : vector<1x16xf32> to vector<16xf32>
        %swap3A_108 = vector.shape_cast %mul3A_103 : vector<16xf32> to vector<1x16xf32>
        tpu.vector_store %arg17[%swap3A_104, %swap3A_105], %swap3A_108 {strides = array<i32>} : memref<128x128xf32, #tpu.memory_space<vmem>>, vector<1x16xf32>,
        %get3A_109 = arith.index_cast %scan3A_65 : i32 to index
        %get3A_110 = arith.constant 64 : index
        %get3A_111 = tpu.vector_load %arg17[%get3A_109, %get3A_110] {strides = array<i32>} : memref<128x128xf32, #tpu.memory_space<vmem>>, vector<1x16xf32>,
        %get3A_112 = vector.shape_cast %get3A_111 : vector<1x16xf32> to vector<16xf32>
        %mul3A_113 = arith.mulf %get3A_112, %get3A_69 : vector<16xf32>
        %swap3A_114 = arith.index_cast %scan3A_65 : i32 to index
        %swap3A_115 = arith.constant 64 : index
        %swap3A_116 = tpu.vector_load %arg17[%swap3A_114, %swap3A_115] {strides = array<i32>} : memref<128x128xf32, #tpu.memory_space<vmem>>, vector<1x16xf32>,
        %swap3A_117 = vector.shape_cast %swap3A_116 : vector<1x16xf32> to vector<16xf32>
        %swap3A_118 = vector.shape_cast %mul3A_113 : vector<16xf32> to vector<1x16xf32>
        tpu.vector_store %arg17[%swap3A_114, %swap3A_115], %swap3A_118 {strides = array<i32>} : memref<128x128xf32, #tpu.memory_space<vmem>>, vector<1x16xf32>,
        %get3A_119 = arith.index_cast %scan3A_65 : i32 to index
        %get3A_120 = arith.constant 80 : index
        %get3A_121 = tpu.vector_load %arg17[%get3A_119, %get3A_120] {strides = array<i32>} : memref<128x128xf32, #tpu.memory_space<vmem>>, vector<1x16xf32>,
        %get3A_122 = vector.shape_cast %get3A_121 : vector<1x16xf32> to vector<16xf32>
        %mul3A_123 = arith.mulf %get3A_122, %get3A_69 : vector<16xf32>
        %swap3A_124 = arith.index_cast %scan3A_65 : i32 to index
        %swap3A_125 = arith.constant 80 : index
        %swap3A_126 = tpu.vector_load %arg17[%swap3A_124, %swap3A_125] {strides = array<i32>} : memref<128x128xf32, #tpu.memory_space<vmem>>, vector<1x16xf32>,
        %swap3A_127 = vector.shape_cast %swap3A_126 : vector<1x16xf32> to vector<16xf32>
        %swap3A_128 = vector.shape_cast %mul3A_123 : vector<16xf32> to vector<1x16xf32>
        tpu.vector_store %arg17[%swap3A_124, %swap3A_125], %swap3A_128 {strides = array<i32>} : memref<128x128xf32, #tpu.memory_space<vmem>>, vector<1x16xf32>,
        %get3A_129 = arith.index_cast %scan3A_65 : i32 to index
        %get3A_130 = arith.constant 96 : index
        %get3A_131 = tpu.vector_load %arg17[%get3A_129, %get3A_130] {strides = array<i32>} : memref<128x128xf32, #tpu.memory_space<vmem>>, vector<1x16xf32>,
        %get3A_132 = vector.shape_cast %get3A_131 : vector<1x16xf32> to vector<16xf32>
        %mul3A_133 = arith.mulf %get3A_132, %get3A_69 : vector<16xf32>
        %swap3A_134 = arith.index_cast %scan3A_65 : i32 to index
        %swap3A_135 = arith.constant 96 : index
        %swap3A_136 = tpu.vector_load %arg17[%swap3A_134, %swap3A_135] {strides = array<i32>} : memref<128x128xf32, #tpu.memory_space<vmem>>, vector<1x16xf32>,
        %swap3A_137 = vector.shape_cast %swap3A_136 : vector<1x16xf32> to vector<16xf32>
        %swap3A_138 = vector.shape_cast %mul3A_133 : vector<16xf32> to vector<1x16xf32>
        tpu.vector_store %arg17[%swap3A_134, %swap3A_135], %swap3A_138 {strides = array<i32>} : memref<128x128xf32, #tpu.memory_space<vmem>>, vector<1x16xf32>,
        %get3A_139 = arith.index_cast %scan3A_65 : i32 to index
        %get3A_140 = arith.constant 112 : index
        %get3A_141 = tpu.vector_load %arg17[%get3A_139, %get3A_140] {strides = array<i32>} : memref<128x128xf32, #tpu.memory_space<vmem>>, vector<1x16xf32>,
        %get3A_142 = vector.shape_cast %get3A_141 : vector<1x16xf32> to vector<16xf32>
        %mul3A_143 = arith.mulf %get3A_142, %get3A_69 : vector<16xf32>
        %swap3A_144 = arith.index_cast %scan3A_65 : i32 to index
        %swap3A_145 = arith.constant 112 : index
        %swap3A_146 = tpu.vector_load %arg17[%swap3A_144, %swap3A_145] {strides = array<i32>} : memref<128x128xf32, #tpu.memory_space<vmem>>, vector<1x16xf32>,
        %swap3A_147 = vector.shape_cast %swap3A_146 : vector<1x16xf32> to vector<16xf32>
        %swap3A_148 = vector.shape_cast %mul3A_143 : vector<16xf32> to vector<1x16xf32>
        tpu.vector_store %arg17[%swap3A_144, %swap3A_145], %swap3A_148 {strides = array<i32>} : memref<128x128xf32, #tpu.memory_space<vmem>>, vector<1x16xf32>,
        %scan3A_149 = arith.constant 1 : i32
        %scan3A_150 = arith.addi %scan3A_65, %scan3A_149 : i32
        %mul3A_151 = arith.constant 16 : i32
        %mul3A_152 = arith.muli %scan3A_150, %mul3A_151 : i32
        %get3A_153 = arith.index_cast %mul3A_152 : i32 to index
        %get3A_154 = tpu.vector_load %arg16[%get3A_153] {strides = array<i32>} : memref<2048xf32, #tpu.memory_space<vmem>>, vector<16xf32>,
        %get3A_155 = vector.shape_cast %get3A_154 : vector<16xf32> to vector<16xf32>
        %get3A_156 = arith.index_cast %scan3A_150 : i32 to index
        %get3A_157 = arith.constant 0 : index
        %get3A_158 = tpu.vector_load %arg17[%get3A_156, %get3A_157] {strides = array<i32>} : memref<128x128xf32, #tpu.memory_space<vmem>>, vector<1x16xf32>,
        %get3A_159 = vector.shape_cast %get3A_158 : vector<1x16xf32> to vector<16xf32>
        %mul3A_160 = arith.mulf %get3A_159, %get3A_155 : vector<16xf32>
        %swap3A_161 = arith.index_cast %scan3A_150 : i32 to index
        %swap3A_162 = arith.constant 0 : index
        %swap3A_163 = tpu.vector_load %arg17[%swap3A_161, %swap3A_162] {strides = array<i32>} : memref<128x128xf32, #tpu.memory_space<vmem>>, vector<1x16xf32>,
        %swap3A_164 = vector.shape_cast %swap3A_163 : vector<1x16xf32> to vector<16xf32>
        %swap3A_165 = vector.shape_cast %mul3A_160 : vector<16xf32> to vector<1x16xf32>
        tpu.vector_store %arg17[%swap3A_161, %swap3A_162], %swap3A_165 {strides = array<i32>} : memref<128x128xf32, #tpu.memory_space<vmem>>, vector<1x16xf32>,
        %get3A_166 = arith.index_cast %scan3A_150 : i32 to index
        %get3A_167 = arith.constant 16 : index
        %get3A_168 = tpu.vector_load %arg17[%get3A_166, %get3A_167] {strides = array<i32>} : memref<128x128xf32, #tpu.memory_space<vmem>>, vector<1x16xf32>,
        %get3A_169 = vector.shape_cast %get3A_168 : vector<1x16xf32> to vector<16xf32>
        %mul3A_170 = arith.mulf %get3A_169, %get3A_155 : vector<16xf32>
        %swap3A_171 = arith.index_cast %scan3A_150 : i32 to index
        %swap3A_172 = arith.constant 16 : index
        %swap3A_173 = tpu.vector_load %arg17[%swap3A_171, %swap3A_172] {strides = array<i32>} : memref<128x128xf32, #tpu.memory_space<vmem>>, vector<1x16xf32>,
        %swap3A_174 = vector.shape_cast %swap3A_173 : vector<1x16xf32> to vector<16xf32>
        %swap3A_175 = vector.shape_cast %mul3A_170 : vector<16xf32> to vector<1x16xf32>
        tpu.vector_store %arg17[%swap3A_171, %swap3A_172], %swap3A_175 {strides = array<i32>} : memref<128x128xf32, #tpu.memory_space<vmem>>, vector<1x16xf32>,
        %get3A_176 = arith.index_cast %scan3A_150 : i32 to index
        %get3A_177 = arith.constant 32 : index
        %get3A_178 = tpu.vector_load %arg17[%get3A_176, %get3A_177] {strides = array<i32>} : memref<128x128xf32, #tpu.memory_space<vmem>>, vector<1x16xf32>,
        %get3A_179 = vector.shape_cast %get3A_178 : vector<1x16xf32> to vector<16xf32>
        %mul3A_180 = arith.mulf %get3A_179, %get3A_155 : vector<16xf32>
        %swap3A_181 = arith.index_cast %scan3A_150 : i32 to index
        %swap3A_182 = arith.constant 32 : index
        %swap3A_183 = tpu.vector_load %arg17[%swap3A_181, %swap3A_182] {strides = array<i32>} : memref<128x128xf32, #tpu.memory_space<vmem>>, vector<1x16xf32>,
        %swap3A_184 = vector.shape_cast %swap3A_183 : vector<1x16xf32> to vector<16xf32>
        %swap3A_185 = vector.shape_cast %mul3A_180 : vector<16xf32> to vector<1x16xf32>
        tpu.vector_store %arg17[%swap3A_181, %swap3A_182], %swap3A_185 {strides = array<i32>} : memref<128x128xf32, #tpu.memory_space<vmem>>, vector<1x16xf32>,
        %get3A_186 = arith.index_cast %scan3A_150 : i32 to index
        %get3A_187 = arith.constant 48 : index
        %get3A_188 = tpu.vector_load %arg17[%get3A_186, %get3A_187] {strides = array<i32>} : memref<128x128xf32, #tpu.memory_space<vmem>>, vector<1x16xf32>,
        %get3A_189 = vector.shape_cast %get3A_188 : vector<1x16xf32> to vector<16xf32>
        %mul3A_190 = arith.mulf %get3A_189, %get3A_155 : vector<16xf32>
        %swap3A_191 = arith.index_cast %scan3A_150 : i32 to index
        %swap3A_192 = arith.constant 48 : index
        %swap3A_193 = tpu.vector_load %arg17[%swap3A_191, %swap3A_192] {strides = array<i32>} : memref<128x128xf32, #tpu.memory_space<vmem>>, vector<1x16xf32>,
        %swap3A_194 = vector.shape_cast %swap3A_193 : vector<1x16xf32> to vector<16xf32>
        %swap3A_195 = vector.shape_cast %mul3A_190 : vector<16xf32> to vector<1x16xf32>
        tpu.vector_store %arg17[%swap3A_191, %swap3A_192], %swap3A_195 {strides = array<i32>} : memref<128x128xf32, #tpu.memory_space<vmem>>, vector<1x16xf32>,
        %get3A_196 = arith.index_cast %scan3A_150 : i32 to index
        %get3A_197 = arith.constant 64 : index
        %get3A_198 = tpu.vector_load %arg17[%get3A_196, %get3A_197] {strides = array<i32>} : memref<128x128xf32, #tpu.memory_space<vmem>>, vector<1x16xf32>,
        %get3A_199 = vector.shape_cast %get3A_198 : vector<1x16xf32> to vector<16xf32>
        %mul3A_200 = arith.mulf %get3A_199, %get3A_155 : vector<16xf32>
        %swap3A_201 = arith.index_cast %scan3A_150 : i32 to index
        %swap3A_202 = arith.constant 64 : index
        %swap3A_203 = tpu.vector_load %arg17[%swap3A_201, %swap3A_202] {strides = array<i32>} : memref<128x128xf32, #tpu.memory_space<vmem>>, vector<1x16xf32>,
        %swap3A_204 = vector.shape_cast %swap3A_203 : vector<1x16xf32> to vector<16xf32>
        %swap3A_205 = vector.shape_cast %mul3A_200 : vector<16xf32> to vector<1x16xf32>
        tpu.vector_store %arg17[%swap3A_201, %swap3A_202], %swap3A_205 {strides = array<i32>} : memref<128x128xf32, #tpu.memory_space<vmem>>, vector<1x16xf32>,
        %get3A_206 = arith.index_cast %scan3A_150 : i32 to index
        %get3A_207 = arith.constant 80 : index
        %get3A_208 = tpu.vector_load %arg17[%get3A_206, %get3A_207] {strides = array<i32>} : memref<128x128xf32, #tpu.memory_space<vmem>>, vector<1x16xf32>,
        %get3A_209 = vector.shape_cast %get3A_208 : vector<1x16xf32> to vector<16xf32>
        %mul3A_210 = arith.mulf %get3A_209, %get3A_155 : vector<16xf32>
        %swap3A_211 = arith.index_cast %scan3A_150 : i32 to index
        %swap3A_212 = arith.constant 80 : index
        %swap3A_213 = tpu.vector_load %arg17[%swap3A_211, %swap3A_212] {strides = array<i32>} : memref<128x128xf32, #tpu.memory_space<vmem>>, vector<1x16xf32>,
        %swap3A_214 = vector.shape_cast %swap3A_213 : vector<1x16xf32> to vector<16xf32>
        %swap3A_215 = vector.shape_cast %mul3A_210 : vector<16xf32> to vector<1x16xf32>
        tpu.vector_store %arg17[%swap3A_211, %swap3A_212], %swap3A_215 {strides = array<i32>} : memref<128x128xf32, #tpu.memory_space<vmem>>, vector<1x16xf32>,
        %get3A_216 = arith.index_cast %scan3A_150 : i32 to index
        %get3A_217 = arith.constant 96 : index
        %get3A_218 = tpu.vector_load %arg17[%get3A_216, %get3A_217] {strides = array<i32>} : memref<128x128xf32, #tpu.memory_space<vmem>>, vector<1x16xf32>,
        %get3A_219 = vector.shape_cast %get3A_218 : vector<1x16xf32> to vector<16xf32>
        %mul3A_220 = arith.mulf %get3A_219, %get3A_155 : vector<16xf32>
        %swap3A_221 = arith.index_cast %scan3A_150 : i32 to index
        %swap3A_222 = arith.constant 96 : index
        %swap3A_223 = tpu.vector_load %arg17[%swap3A_221, %swap3A_222] {strides = array<i32>} : memref<128x128xf32, #tpu.memory_space<vmem>>, vector<1x16xf32>,
        %swap3A_224 = vector.shape_cast %swap3A_223 : vector<1x16xf32> to vector<16xf32>
        %swap3A_225 = vector.shape_cast %mul3A_220 : vector<16xf32> to vector<1x16xf32>
        tpu.vector_store %arg17[%swap3A_221, %swap3A_222], %swap3A_225 {strides = array<i32>} : memref<128x128xf32, #tpu.memory_space<vmem>>, vector<1x16xf32>,
        %get3A_226 = arith.index_cast %scan3A_150 : i32 to index
        %get3A_227 = arith.constant 112 : index
        %get3A_228 = tpu.vector_load %arg17[%get3A_226, %get3A_227] {strides = array<i32>} : memref<128x128xf32, #tpu.memory_space<vmem>>, vector<1x16xf32>,
        %get3A_229 = vector.shape_cast %get3A_228 : vector<1x16xf32> to vector<16xf32>
        %mul3A_230 = arith.mulf %get3A_229, %get3A_155 : vector<16xf32>
        %swap3A_231 = arith.index_cast %scan3A_150 : i32 to index
        %swap3A_232 = arith.constant 112 : index
        %swap3A_233 = tpu.vector_load %arg17[%swap3A_231, %swap3A_232] {strides = array<i32>} : memref<128x128xf32, #tpu.memory_space<vmem>>, vector<1x16xf32>,
        %swap3A_234 = vector.shape_cast %swap3A_233 : vector<1x16xf32> to vector<16xf32>
        %swap3A_235 = vector.shape_cast %mul3A_230 : vector<16xf32> to vector<1x16xf32>
        tpu.vector_store %arg17[%swap3A_231, %swap3A_232], %swap3A_235 {strides = array<i32>} : memref<128x128xf32, #tpu.memory_space<vmem>>, vector<1x16xf32>,
        %scan3A_236 = arith.constant 2 : i32
        %scan3A_237 = arith.addi %scan3A_65, %scan3A_236 : i32
        %mul3A_238 = arith.constant 16 : i32
        %mul3A_239 = arith.muli %scan3A_237, %mul3A_238 : i32
        %get3A_240 = arith.index_cast %mul3A_239 : i32 to index
        %get3A_241 = tpu.vector_load %arg16[%get3A_240] {strides = array<i32>} : memref<2048xf32, #tpu.memory_space<vmem>>, vector<16xf32>,
        %get3A_242 = vector.shape_cast %get3A_241 : vector<16xf32> to vector<16xf32>
        %get3A_243 = arith.index_cast %scan3A_237 : i32 to index
        %get3A_244 = arith.constant 0 : index
        %get3A_245 = tpu.vector_load %arg17[%get3A_243, %get3A_244] {strides = array<i32>} : memref<128x128xf32, #tpu.memory_space<vmem>>, vector<1x16xf32>,
        %get3A_246 = vector.shape_cast %get3A_245 : vector<1x16xf32> to vector<16xf32>
        %mul3A_247 = arith.mulf %get3A_246, %get3A_242 : vector<16xf32>
        %swap3A_248 = arith.index_cast %scan3A_237 : i32 to index
        %swap3A_249 = arith.constant 0 : index
        %swap3A_250 = tpu.vector_load %arg17[%swap3A_248, %swap3A_249] {strides = array<i32>} : memref<128x128xf32, #tpu.memory_space<vmem>>, vector<1x16xf32>,
        %swap3A_251 = vector.shape_cast %swap3A_250 : vector<1x16xf32> to vector<16xf32>
        %swap3A_252 = vector.shape_cast %mul3A_247 : vector<16xf32> to vector<1x16xf32>
        tpu.vector_store %arg17[%swap3A_248, %swap3A_249], %swap3A_252 {strides = array<i32>} : memref<128x128xf32, #tpu.memory_space<vmem>>, vector<1x16xf32>,
        %get3A_253 = arith.index_cast %scan3A_237 : i32 to index
        %get3A_254 = arith.constant 16 : index
        %get3A_255 = tpu.vector_load %arg17[%get3A_253, %get3A_254] {strides = array<i32>} : memref<128x128xf32, #tpu.memory_space<vmem>>, vector<1x16xf32>,
        %get3A_256 = vector.shape_cast %get3A_255 : vector<1x16xf32> to vector<16xf32>
        %mul3A_257 = arith.mulf %get3A_256, %get3A_242 : vector<16xf32>
        %swap3A_258 = arith.index_cast %scan3A_237 : i32 to index
        %swap3A_259 = arith.constant 16 : index
        %swap3A_260 = tpu.vector_load %arg17[%swap3A_258, %swap3A_259] {strides = array<i32>} : memref<128x128xf32, #tpu.memory_space<vmem>>, vector<1x16xf32>,
        %swap3A_261 = vector.shape_cast %swap3A_260 : vector<1x16xf32> to vector<16xf32>
        %swap3A_262 = vector.shape_cast %mul3A_257 : vector<16xf32> to vector<1x16xf32>
        tpu.vector_store %arg17[%swap3A_258, %swap3A_259], %swap3A_262 {strides = array<i32>} : memref<128x128xf32, #tpu.memory_space<vmem>>, vector<1x16xf32>,
        %get3A_263 = arith.index_cast %scan3A_237 : i32 to index
        %get3A_264 = arith.constant 32 : index
        %get3A_265 = tpu.vector_load %arg17[%get3A_263, %get3A_264] {strides = array<i32>} : memref<128x128xf32, #tpu.memory_space<vmem>>, vector<1x16xf32>,
        %get3A_266 = vector.shape_cast %get3A_265 : vector<1x16xf32> to vector<16xf32>
        %mul3A_267 = arith.mulf %get3A_266, %get3A_242 : vector<16xf32>
        %swap3A_268 = arith.index_cast %scan3A_237 : i32 to index
        %swap3A_269 = arith.constant 32 : index
        %swap3A_270 = tpu.vector_load %arg17[%swap3A_268, %swap3A_269] {strides = array<i32>} : memref<128x128xf32, #tpu.memory_space<vmem>>, vector<1x16xf32>,
        %swap3A_271 = vector.shape_cast %swap3A_270 : vector<1x16xf32> to vector<16xf32>
        %swap3A_272 = vector.shape_cast %mul3A_267 : vector<16xf32> to vector<1x16xf32>
        tpu.vector_store %arg17[%swap3A_268, %swap3A_269], %swap3A_272 {strides = array<i32>} : memref<128x128xf32, #tpu.memory_space<vmem>>, vector<1x16xf32>,
        %get3A_273 = arith.index_cast %scan3A_237 : i32 to index
        %get3A_274 = arith.constant 48 : index
        %get3A_275 = tpu.vector_load %arg17[%get3A_273, %get3A_274] {strides = array<i32>} : memref<128x128xf32, #tpu.memory_space<vmem>>, vector<1x16xf32>,
        %get3A_276 = vector.shape_cast %get3A_275 : vector<1x16xf32> to vector<16xf32>
        %mul3A_277 = arith.mulf %get3A_276, %get3A_242 : vector<16xf32>
        %swap3A_278 = arith.index_cast %scan3A_237 : i32 to index
        %swap3A_279 = arith.constant 48 : index
        %swap3A_280 = tpu.vector_load %arg17[%swap3A_278, %swap3A_279] {strides = array<i32>} : memref<128x128xf32, #tpu.memory_space<vmem>>, vector<1x16xf32>,
        %swap3A_281 = vector.shape_cast %swap3A_280 : vector<1x16xf32> to vector<16xf32>
        %swap3A_282 = vector.shape_cast %mul3A_277 : vector<16xf32> to vector<1x16xf32>
        tpu.vector_store %arg17[%swap3A_278, %swap3A_279], %swap3A_282 {strides = array<i32>} : memref<128x128xf32, #tpu.memory_space<vmem>>, vector<1x16xf32>,
        %get3A_283 = arith.index_cast %scan3A_237 : i32 to index
        %get3A_284 = arith.constant 64 : index
        %get3A_285 = tpu.vector_load %arg17[%get3A_283, %get3A_284] {strides = array<i32>} : memref<128x128xf32, #tpu.memory_space<vmem>>, vector<1x16xf32>,
        %get3A_286 = vector.shape_cast %get3A_285 : vector<1x16xf32> to vector<16xf32>
        %mul3A_287 = arith.mulf %get3A_286, %get3A_242 : vector<16xf32>
        %swap3A_288 = arith.index_cast %scan3A_237 : i32 to index
        %swap3A_289 = arith.constant 64 : index
        %swap3A_290 = tpu.vector_load %arg17[%swap3A_288, %swap3A_289] {strides = array<i32>} : memref<128x128xf32, #tpu.memory_space<vmem>>, vector<1x16xf32>,
        %swap3A_291 = vector.shape_cast %swap3A_290 : vector<1x16xf32> to vector<16xf32>
        %swap3A_292 = vector.shape_cast %mul3A_287 : vector<16xf32> to vector<1x16xf32>
        tpu.vector_store %arg17[%swap3A_288, %swap3A_289], %swap3A_292 {strides = array<i32>} : memref<128x128xf32, #tpu.memory_space<vmem>>, vector<1x16xf32>,
        %get3A_293 = arith.index_cast %scan3A_237 : i32 to index
        %get3A_294 = arith.constant 80 : index
        %get3A_295 = tpu.vector_load %arg17[%get3A_293, %get3A_294] {strides = array<i32>} : memref<128x128xf32, #tpu.memory_space<vmem>>, vector<1x16xf32>,
        %get3A_296 = vector.shape_cast %get3A_295 : vector<1x16xf32> to vector<16xf32>
        %mul3A_297 = arith.mulf %get3A_296, %get3A_242 : vector<16xf32>
        %swap3A_298 = arith.index_cast %scan3A_237 : i32 to index
        %swap3A_299 = arith.constant 80 : index
        %swap3A_300 = tpu.vector_load %arg17[%swap3A_298, %swap3A_299] {strides = array<i32>} : memref<128x128xf32, #tpu.memory_space<vmem>>, vector<1x16xf32>,
        %swap3A_301 = vector.shape_cast %swap3A_300 : vector<1x16xf32> to vector<16xf32>
        %swap3A_302 = vector.shape_cast %mul3A_297 : vector<16xf32> to vector<1x16xf32>
        tpu.vector_store %arg17[%swap3A_298, %swap3A_299], %swap3A_302 {strides = array<i32>} : memref<128x128xf32, #tpu.memory_space<vmem>>, vector<1x16xf32>,
        %get3A_303 = arith.index_cast %scan3A_237 : i32 to index
        %get3A_304 = arith.constant 96 : index
        %get3A_305 = tpu.vector_load %arg17[%get3A_303, %get3A_304] {strides = array<i32>} : memref<128x128xf32, #tpu.memory_space<vmem>>, vector<1x16xf32>,
        %get3A_306 = vector.shape_cast %get3A_305 : vector<1x16xf32> to vector<16xf32>
        %mul3A_307 = arith.mulf %get3A_306, %get3A_242 : vector<16xf32>
        %swap3A_308 = arith.index_cast %scan3A_237 : i32 to index
        %swap3A_309 = arith.constant 96 : index
        %swap3A_310 = tpu.vector_load %arg17[%swap3A_308, %swap3A_309] {strides = array<i32>} : memref<128x128xf32, #tpu.memory_space<vmem>>, vector<1x16xf32>,
        %swap3A_311 = vector.shape_cast %swap3A_310 : vector<1x16xf32> to vector<16xf32>
        %swap3A_312 = vector.shape_cast %mul3A_307 : vector<16xf32> to vector<1x16xf32>
        tpu.vector_store %arg17[%swap3A_308, %swap3A_309], %swap3A_312 {strides = array<i32>} : memref<128x128xf32, #tpu.memory_space<vmem>>, vector<1x16xf32>,
        %get3A_313 = arith.index_cast %scan3A_237 : i32 to index
        %get3A_314 = arith.constant 112 : index
        %get3A_315 = tpu.vector_load %arg17[%get3A_313, %get3A_314] {strides = array<i32>} : memref<128x128xf32, #tpu.memory_space<vmem>>, vector<1x16xf32>,
        %get3A_316 = vector.shape_cast %get3A_315 : vector<1x16xf32> to vector<16xf32>
        %mul3A_317 = arith.mulf %get3A_316, %get3A_242 : vector<16xf32>
        %swap3A_318 = arith.index_cast %scan3A_237 : i32 to index
        %swap3A_319 = arith.constant 112 : index
        %swap3A_320 = tpu.vector_load %arg17[%swap3A_318, %swap3A_319] {strides = array<i32>} : memref<128x128xf32, #tpu.memory_space<vmem>>, vector<1x16xf32>,
        %swap3A_321 = vector.shape_cast %swap3A_320 : vector<1x16xf32> to vector<16xf32>
        %swap3A_322 = vector.shape_cast %mul3A_317 : vector<16xf32> to vector<1x16xf32>
        tpu.vector_store %arg17[%swap3A_318, %swap3A_319], %swap3A_322 {strides = array<i32>} : memref<128x128xf32, #tpu.memory_space<vmem>>, vector<1x16xf32>,
        %scan3A_323 = arith.constant 3 : i32
        %scan3A_324 = arith.addi %scan3A_65, %scan3A_323 : i32
        %mul3A_325 = arith.constant 16 : i32
        %mul3A_326 = arith.muli %scan3A_324, %mul3A_325 : i32
        %get3A_327 = arith.index_cast %mul3A_326 : i32 to index
        %get3A_328 = tpu.vector_load %arg16[%get3A_327] {strides = array<i32>} : memref<2048xf32, #tpu.memory_space<vmem>>, vector<16xf32>,
        %get3A_329 = vector.shape_cast %get3A_328 : vector<16xf32> to vector<16xf32>
        %get3A_330 = arith.index_cast %scan3A_324 : i32 to index
        %get3A_331 = arith.constant 0 : index
        %get3A_332 = tpu.vector_load %arg17[%get3A_330, %get3A_331] {strides = array<i32>} : memref<128x128xf32, #tpu.memory_space<vmem>>, vector<1x16xf32>,
        %get3A_333 = vector.shape_cast %get3A_332 : vector<1x16xf32> to vector<16xf32>
        %mul3A_334 = arith.mulf %get3A_333, %get3A_329 : vector<16xf32>
        %swap3A_335 = arith.index_cast %scan3A_324 : i32 to index
        %swap3A_336 = arith.constant 0 : index
        %swap3A_337 = tpu.vector_load %arg17[%swap3A_335, %swap3A_336] {strides = array<i32>} : memref<128x128xf32, #tpu.memory_space<vmem>>, vector<1x16xf32>,
        %swap3A_338 = vector.shape_cast %swap3A_337 : vector<1x16xf32> to vector<16xf32>
        %swap3A_339 = vector.shape_cast %mul3A_334 : vector<16xf32> to vector<1x16xf32>
        tpu.vector_store %arg17[%swap3A_335, %swap3A_336], %swap3A_339 {strides = array<i32>} : memref<128x128xf32, #tpu.memory_space<vmem>>, vector<1x16xf32>,
        %get3A_340 = arith.index_cast %scan3A_324 : i32 to index
        %get3A_341 = arith.constant 16 : index
        %get3A_342 = tpu.vector_load %arg17[%get3A_340, %get3A_341] {strides = array<i32>} : memref<128x128xf32, #tpu.memory_space<vmem>>, vector<1x16xf32>,
        %get3A_343 = vector.shape_cast %get3A_342 : vector<1x16xf32> to vector<16xf32>
        %mul3A_344 = arith.mulf %get3A_343, %get3A_329 : vector<16xf32>
        %swap3A_345 = arith.index_cast %scan3A_324 : i32 to index
        %swap3A_346 = arith.constant 16 : index
        %swap3A_347 = tpu.vector_load %arg17[%swap3A_345, %swap3A_346] {strides = array<i32>} : memref<128x128xf32, #tpu.memory_space<vmem>>, vector<1x16xf32>,
        %swap3A_348 = vector.shape_cast %swap3A_347 : vector<1x16xf32> to vector<16xf32>
        %swap3A_349 = vector.shape_cast %mul3A_344 : vector<16xf32> to vector<1x16xf32>
        tpu.vector_store %arg17[%swap3A_345, %swap3A_346], %swap3A_349 {strides = array<i32>} : memref<128x128xf32, #tpu.memory_space<vmem>>, vector<1x16xf32>,
        %get3A_350 = arith.index_cast %scan3A_324 : i32 to index
        %get3A_351 = arith.constant 32 : index
        %get3A_352 = tpu.vector_load %arg17[%get3A_350, %get3A_351] {strides = array<i32>} : memref<128x128xf32, #tpu.memory_space<vmem>>, vector<1x16xf32>,
        %get3A_353 = vector.shape_cast %get3A_352 : vector<1x16xf32> to vector<16xf32>
        %mul3A_354 = arith.mulf %get3A_353, %get3A_329 : vector<16xf32>
        %swap3A_355 = arith.index_cast %scan3A_324 : i32 to index
        %swap3A_356 = arith.constant 32 : index
        %swap3A_357 = tpu.vector_load %arg17[%swap3A_355, %swap3A_356] {strides = array<i32>} : memref<128x128xf32, #tpu.memory_space<vmem>>, vector<1x16xf32>,
        %swap3A_358 = vector.shape_cast %swap3A_357 : vector<1x16xf32> to vector<16xf32>
        %swap3A_359 = vector.shape_cast %mul3A_354 : vector<16xf32> to vector<1x16xf32>
        tpu.vector_store %arg17[%swap3A_355, %swap3A_356], %swap3A_359 {strides = array<i32>} : memref<128x128xf32, #tpu.memory_space<vmem>>, vector<1x16xf32>,
        %get3A_360 = arith.index_cast %scan3A_324 : i32 to index
        %get3A_361 = arith.constant 48 : index
        %get3A_362 = tpu.vector_load %arg17[%get3A_360, %get3A_361] {strides = array<i32>} : memref<128x128xf32, #tpu.memory_space<vmem>>, vector<1x16xf32>,
        %get3A_363 = vector.shape_cast %get3A_362 : vector<1x16xf32> to vector<16xf32>
        %mul3A_364 = arith.mulf %get3A_363, %get3A_329 : vector<16xf32>
        %swap3A_365 = arith.index_cast %scan3A_324 : i32 to index
        %swap3A_366 = arith.constant 48 : index
        %swap3A_367 = tpu.vector_load %arg17[%swap3A_365, %swap3A_366] {strides = array<i32>} : memref<128x128xf32, #tpu.memory_space<vmem>>, vector<1x16xf32>,
        %swap3A_368 = vector.shape_cast %swap3A_367 : vector<1x16xf32> to vector<16xf32>
        %swap3A_369 = vector.shape_cast %mul3A_364 : vector<16xf32> to vector<1x16xf32>
        tpu.vector_store %arg17[%swap3A_365, %swap3A_366], %swap3A_369 {strides = array<i32>} : memref<128x128xf32, #tpu.memory_space<vmem>>, vector<1x16xf32>,
        %get3A_370 = arith.index_cast %scan3A_324 : i32 to index
        %get3A_371 = arith.constant 64 : index
        %get3A_372 = tpu.vector_load %arg17[%get3A_370, %get3A_371] {strides = array<i32>} : memref<128x128xf32, #tpu.memory_space<vmem>>, vector<1x16xf32>,
        %get3A_373 = vector.shape_cast %get3A_372 : vector<1x16xf32> to vector<16xf32>
        %mul3A_374 = arith.mulf %get3A_373, %get3A_329 : vector<16xf32>
        %swap3A_375 = arith.index_cast %scan3A_324 : i32 to index
        %swap3A_376 = arith.constant 64 : index
        %swap3A_377 = tpu.vector_load %arg17[%swap3A_375, %swap3A_376] {strides = array<i32>} : memref<128x128xf32, #tpu.memory_space<vmem>>, vector<1x16xf32>,
        %swap3A_378 = vector.shape_cast %swap3A_377 : vector<1x16xf32> to vector<16xf32>
        %swap3A_379 = vector.shape_cast %mul3A_374 : vector<16xf32> to vector<1x16xf32>
        tpu.vector_store %arg17[%swap3A_375, %swap3A_376], %swap3A_379 {strides = array<i32>} : memref<128x128xf32, #tpu.memory_space<vmem>>, vector<1x16xf32>,
        %get3A_380 = arith.index_cast %scan3A_324 : i32 to index
        %get3A_381 = arith.constant 80 : index
        %get3A_382 = tpu.vector_load %arg17[%get3A_380, %get3A_381] {strides = array<i32>} : memref<128x128xf32, #tpu.memory_space<vmem>>, vector<1x16xf32>,
        %get3A_383 = vector.shape_cast %get3A_382 : vector<1x16xf32> to vector<16xf32>
        %mul3A_384 = arith.mulf %get3A_383, %get3A_329 : vector<16xf32>
        %swap3A_385 = arith.index_cast %scan3A_324 : i32 to index
        %swap3A_386 = arith.constant 80 : index
        %swap3A_387 = tpu.vector_load %arg17[%swap3A_385, %swap3A_386] {strides = array<i32>} : memref<128x128xf32, #tpu.memory_space<vmem>>, vector<1x16xf32>,
        %swap3A_388 = vector.shape_cast %swap3A_387 : vector<1x16xf32> to vector<16xf32>
        %swap3A_389 = vector.shape_cast %mul3A_384 : vector<16xf32> to vector<1x16xf32>
        tpu.vector_store %arg17[%swap3A_385, %swap3A_386], %swap3A_389 {strides = array<i32>} : memref<128x128xf32, #tpu.memory_space<vmem>>, vector<1x16xf32>,
        %get3A_390 = arith.index_cast %scan3A_324 : i32 to index
        %get3A_391 = arith.constant 96 : index
        %get3A_392 = tpu.vector_load %arg17[%get3A_390, %get3A_391] {strides = array<i32>} : memref<128x128xf32, #tpu.memory_space<vmem>>, vector<1x16xf32>,
        %get3A_393 = vector.shape_cast %get3A_392 : vector<1x16xf32> to vector<16xf32>
        %mul3A_394 = arith.mulf %get3A_393, %get3A_329 : vector<16xf32>
        %swap3A_395 = arith.index_cast %scan3A_324 : i32 to index
        %swap3A_396 = arith.constant 96 : index
        %swap3A_397 = tpu.vector_load %arg17[%swap3A_395, %swap3A_396] {strides = array<i32>} : memref<128x128xf32, #tpu.memory_space<vmem>>, vector<1x16xf32>,
        %swap3A_398 = vector.shape_cast %swap3A_397 : vector<1x16xf32> to vector<16xf32>
        %swap3A_399 = vector.shape_cast %mul3A_394 : vector<16xf32> to vector<1x16xf32>
        tpu.vector_store %arg17[%swap3A_395, %swap3A_396], %swap3A_399 {strides = array<i32>} : memref<128x128xf32, #tpu.memory_space<vmem>>, vector<1x16xf32>,
        %get3A_400 = arith.index_cast %scan3A_324 : i32 to index
        %get3A_401 = arith.constant 112 : index
        %get3A_402 = tpu.vector_load %arg17[%get3A_400, %get3A_401] {strides = array<i32>} : memref<128x128xf32, #tpu.memory_space<vmem>>, vector<1x16xf32>,
        %get3A_403 = vector.shape_cast %get3A_402 : vector<1x16xf32> to vector<16xf32>
        %mul3A_404 = arith.mulf %get3A_403, %get3A_329 : vector<16xf32>
        %swap3A_405 = arith.index_cast %scan3A_324 : i32 to index
        %swap3A_406 = arith.constant 112 : index
        %swap3A_407 = tpu.vector_load %arg17[%swap3A_405, %swap3A_406] {strides = array<i32>} : memref<128x128xf32, #tpu.memory_space<vmem>>, vector<1x16xf32>,
        %swap3A_408 = vector.shape_cast %swap3A_407 : vector<1x16xf32> to vector<16xf32>
        %swap3A_409 = vector.shape_cast %mul3A_404 : vector<16xf32> to vector<1x16xf32>
        tpu.vector_store %arg17[%swap3A_405, %swap3A_406], %swap3A_409 {strides = array<i32>} : memref<128x128xf32, #tpu.memory_space<vmem>>, vector<1x16xf32>,
      }
      %scan3A_64 = arith.constant 128 : i32
      "tpu.region"() ({
        %run_scoped3A = tpu.sem_alloc : memref<!tpu.dma_semaphore, #tpu.memory_space<semaphore_mem>>
        %dma_start3A_65 = arith.constant 0 : i32
        %dma_start3A_66 = arith.constant 0 : i32
        %dma_start3A_67 = tpu.memref_slice %arg8[%dma_start3A_65, %dma_start3A_66] : memref<1536x128xf32, #tpu.memory_space<vmem_shared>> -> memref<1536x128xf32, #tpu.memory_space<vmem_shared>>
        tpu.enqueue_indirect_dma source(%arg17 : memref<128x128xf32, #tpu.memory_space<vmem>>) target(%dma_start3A_67 : memref<1536x128xf32, #tpu.memory_space<vmem_shared>>) offsets(%arg15 : memref<128xi32, #tpu.memory_space<vmem>>) semaphore(%run_scoped3A : memref<!tpu.dma_semaphore, #tpu.memory_space<semaphore_mem>>) {add = true}
        %dma_wait3A_68 = arith.constant 0 : i32
        %dma_wait3A_69 = arith.constant 0 : i32
        %dma_wait3A_70 = tpu.memref_slice %arg8[%dma_wait3A_68, %dma_wait3A_69] : memref<1536x128xf32, #tpu.memory_space<vmem_shared>> -> memref<1536x128xf32, #tpu.memory_space<vmem_shared>>
        tpu.wait_indirect_dma semaphore(%run_scoped3A : memref<!tpu.dma_semaphore, #tpu.memory_space<semaphore_mem>>) src(%arg17 : memref<128x128xf32, #tpu.memory_space<vmem>>) dst(%dma_wait3A_70 : memref<1536x128xf32, #tpu.memory_space<vmem_shared>>)
        tpu.yield
      }) : () -> ()
    }
    %scan3A_25 = arith.constant 3 : i32
    %barrier3A_26 = arith.constant 0 : index
    tpu.barrier barrier_id(%barrier3A_26)
    %mul3A_27 = arith.constant 96 : i32
    %mul3A_28 = arith.muli %arg1, %mul3A_27 : i32
    %mul3A_29 = arith.constant 96 : i32
    %mul3A_30 = arith.muli %arg1, %mul3A_29 : i32
    "tpu.region"() ({
      %run_scoped3A = tpu.sem_alloc : memref<!tpu.dma_semaphore, #tpu.memory_space<semaphore_mem>>
      %dma_start3A_31 = arith.constant 0 : i32
      %dma_start3A_32 = tpu.memref_slice %arg7[%arg0, %mul3A_30, %dma_start3A_31] : memref<2x1536x128xf32, #tpu.memory_space<hbm>> -> memref<1x96x128xf32, #tpu.memory_space<hbm>>
      %dma_start3A_33 = tpu.memref_squeeze %dma_start3A_32 : memref<1x96x128xf32, #tpu.memory_space<hbm>> -> memref<96x128xf32, #tpu.memory_space<hbm>>
      %dma_start3A_34 = arith.constant 0 : i32
      %dma_start3A_35 = tpu.memref_slice %arg8[%mul3A_28, %dma_start3A_34] : memref<1536x128xf32, #tpu.memory_space<vmem_shared>> -> memref<96x128xf32, #tpu.memory_space<vmem_shared>>
      tpu.enqueue_dma source(%dma_start3A_35 : memref<96x128xf32, #tpu.memory_space<vmem_shared>>) target(%dma_start3A_33 : memref<96x128xf32, #tpu.memory_space<hbm>>) target_semaphore(%run_scoped3A : memref<!tpu.dma_semaphore, #tpu.memory_space<semaphore_mem>>)
      %dma_wait3A = arith.constant 0 : i32
      %dma_wait3A_36 = tpu.memref_slice %arg7[%arg0, %mul3A_30, %dma_wait3A] : memref<2x1536x128xf32, #tpu.memory_space<hbm>> -> memref<1x96x128xf32, #tpu.memory_space<hbm>>
      %dma_wait3A_37 = tpu.memref_squeeze %dma_wait3A_36 : memref<1x96x128xf32, #tpu.memory_space<hbm>> -> memref<96x128xf32, #tpu.memory_space<hbm>>
      %dma_wait3A_38 = arith.constant 0 : i32
      %dma_wait3A_39 = tpu.memref_slice %arg8[%mul3A_28, %dma_wait3A_38] : memref<1536x128xf32, #tpu.memory_space<vmem_shared>> -> memref<96x128xf32, #tpu.memory_space<vmem_shared>>
      tpu.wait_dma2 semaphore(%run_scoped3A : memref<!tpu.dma_semaphore, #tpu.memory_space<semaphore_mem>>) src(%dma_wait3A_39 : memref<96x128xf32, #tpu.memory_space<vmem_shared>>) dst(%dma_wait3A_37 : memref<96x128xf32, #tpu.memory_space<hbm>>)
      tpu.yield
    }) : () -> ()
    return
  }
}

</mosaic_0001>

<sc_bundles>
// kernel: _sc_segsum_call.3.cloned.1.call-start
scs
__scs_entry_jumppad:
0x0: {  	(pc) =	sbr.rel $0x88, $3  }
0x1: {  	(tag) =	ssettag $0x0;
	lr =	simm.s32 $0x1  }
0x2: {  	[smem:$0x3F9D] =	sst lr;
	_ =	strace $0xD0000000  }
0x3: {  	_ = 	snop  }
0x4: {  	_ = 	snop  }
0x5: {  	_ = 	snop  }
0x6: {  	_ = 	snop  }
0x7: {  	_ = 	snop  }
__scs_overlays_trampoline_lowered:
0x8: {  	[smem:$0x3FAC] =	sst s0  }
0x9: {  	[smem:$0x3FAD] =	sst s1  }
0xa: {  	[smem:$0x3FAE] =	sst s2  }
0xb: {  	[smem:$0x3FAF] =	sst s3  }
0xc: {  	[smem:$0x3FB0] =	sst s4  }
0xd: {  	[smem:$0x3FB1] =	sst s5  }
0xe: {  	[smem:$0x3FB2] =	sst s6  }
0xf: {  	[smem:$0x3FB3] =	sst s7  }
0x10: {  	[smem:$0x3FB4] =	sst s8  }
0x11: {  	[smem:$0x3FB5] =	sst s9;
	s0 =	simm.s32 @!p0 $0x0  }
0x12: {  	s1 =	sld [smem:$0x3F9B];
	s0 =	simm.s32 @p0 $0x1  }
0x13: {  	[smem:$0x3FB6] =	sst s0;
	s0 =	simm.s32 @!p1 $0x0  }
0x14: {  	s2 =	sld [smem:$0x3F9A];
	s0 =	simm.s32 @p1 $0x1  }
0x15: {  	[smem:$0x3FB7] =	sst s0;
	s0 =	simm.s32 @!p2 $0x0  }
0x16: {  	s3 =	sld [smem:$0x3FDB];
	s0 =	simm.s32 @p2 $0x1  }
0x17: {  	s4 =	simm.s32 $0x1BF5;
	[smem:$0x3FB9] =	sst s0  }
0x18: {  	s0 =	sld [smem:$0x3F9C];
	_ =	swait.ge [sflag:s4], $0x0  }
0x19: {  	s7 =	sld [smem:$0x3F9D]  }
0x1a: {  	s8 =	sadd.s32 $0xFFFFE003, lr  }
0x1b: {  	s9 =	sadd.s32 $0xFFFFFEF7, lr;
	s5 =	simm.s32 $0xFFFFFFFF;
	p2 =	slt.u32 s8, $0xFFFFF086  }
0x1c: {  	p1 =	slt.u32 s9, $0xF7A;
	s5 =	simm.s32 @!p2 $0x0  }
0x1d: {  	s5 =	simm.s32 @p1 $0x1;
	p0 =	seq.s32 s7, s2  }
0x1e: {  	s7 =	smul.u32 @!p0 $0xF7A, s2;
	p2 =	seq.s32 @!p0 s5, $0x0  }
0x1f: {  	s9 =	smul.u32 $0xF7A, s1;
	s8 =	simm.s32 @!p0 $0x1BF5;
	p2 =	por !p2, p0  }
0x20: {  	[sflag:s8] =	ssyncset.s32 @!p0 $0xFFFFF086;
	s6 =	sadd.s32 @!p0 s3, s7;
	s7 =	simm.s32 @!p0 $0x108  }
0x21: {  	s3 =	sadd.s32 s3, s9;
	s6 =	sadd.s32 @!p0 $0x88, s6;
	s7 =	simm.s32 @p2 $0x1082  }
0x22: {  	[simem:s7], [sflag:s8] =	dma.local @!p0 [hbm:s6], $0xF7A  }
0x23: {  	s9 =	sor.u32 $0xD0000000, s2;
	s6 =	simm.s32 $0x108;
	_ =	swait.ge @!p0 [sflag:s8], $0x0  }
0x24: {  	s3 =	sadd.s32 $0x88, s3;
	s6 =	simm.s32 @!p1 $0x1082;
	[sflag:s4] =	ssyncset.s32 $0xFFFFF086  }
0x25: {  	[simem:s6], [sflag:s4] =	dma.local [hbm:s3], $0xF7A  }
0x26: {  	[smem:$0x3F9D] =	sst s1;
	(tag) =	ssettag s2;
	_ =	strace s9  }
0x27: {  	s1 =	sld [smem:$0x3FAD]  }
0x28: {  	s2 =	sld [smem:$0x3FAE]  }
0x29: {  	s4 =	sld [smem:$0x3FB0]  }
0x2a: {  	p0 =	seq.s32 s5, $0x0;
	s5 =	sld [smem:$0x3FB1]  }
0x2b: {  	s6 =	sld [smem:$0x3FB2]  }
0x2c: {  	s7 =	sld [smem:$0x3FB3]  }
0x2d: {  	s3 =	simm.s32 $0x108;
	s8 =	sld [smem:$0x3FB4]  }
0x2e: {  	s3 =	simm.s32 @!p0 $0x1082;
	s9 =	sld [smem:$0x3FB5]  }
0x2f: {  	lr =	sadd.s32 s0, s3;
	s0 =	sld [smem:$0x3FAC]  }
0x30: {  	s3 =	sld [smem:$0x3FAF]  }
0x31: {  	[smem:$0x3FB8] =	sst s10  }
0x32: {  	s10 =	sld [smem:$0x3FB6];
	_ =	sdelay $0x3  }
0x33: {  	p0 =	seq.s32 s10, $0x1;
	s10 =	sld [smem:$0x3FB8];
	_ =	sdelay $0x3  }
0x34: {  	[smem:$0x3FB8] =	sst s10  }
0x35: {  	s10 =	sld [smem:$0x3FB7];
	_ =	sdelay $0x3  }
0x36: {  	p1 =	seq.s32 s10, $0x1;
	s10 =	sld [smem:$0x3FB8];
	_ =	sdelay $0x3  }
0x37: {  	[smem:$0x3FB8] =	sst s10  }
0x38: {  	s10 =	sld [smem:$0x3FB9]  }
0x39: {  	_ = 	snop;
	(pc) =	sbr.ind lr, $3  }
0x3a: {  	_ = 	snop  }
0x3b: {  	_ = 	snop  }
0x3c: {  	p2 =	seq.s32 s10, $0x1;
	s10 =	sld [smem:$0x3FB8]  }
0x3d: {  	_ =	shalt  }
0x3e: {  	_ =	shalt  }
0x3f: {  	_ =	shalt  }
0x40: {  	_ =	shalt  }
0x41: {  	_ =	shalt  }
0x42: {  	_ =	shalt  }
0x43: {  	_ =	shalt  }
0x44: {  	_ =	shalt  }
0x45: {  	_ =	shalt  }
0x46: {  	_ =	shalt  }
0x47: {  	_ =	shalt  }
0x48: {  	_ =	shalt  }
0x49: {  	_ =	shalt  }
0x4a: {  	_ =	shalt  }
0x4b: {  	_ =	shalt  }
0x4c: {  	_ =	shalt  }
0x4d: {  	_ =	shalt  }
0x4e: {  	_ =	shalt  }
0x4f: {  	_ =	shalt  }
0x50: {  	_ =	shalt  }
0x51: {  	_ =	shalt  }
0x52: {  	_ =	shalt  }
0x53: {  	_ =	shalt  }
0x54: {  	_ =	shalt  }
0x55: {  	_ =	shalt  }
0x56: {  	_ =	shalt  }
0x57: {  	_ =	shalt  }
0x58: {  	_ =	shalt  }
0x59: {  	_ =	shalt  }
0x5a: {  	_ =	shalt  }
0x5b: {  	_ =	shalt  }
0x5c: {  	_ =	shalt  }
0x5d: {  	_ =	shalt  }
0x5e: {  	_ =	shalt  }
0x5f: {  	_ =	shalt  }
0x60: {  	_ =	shalt  }
0x61: {  	_ =	shalt  }
0x62: {  	_ =	shalt  }
0x63: {  	_ =	shalt  }
0x64: {  	_ =	shalt  }
0x65: {  	_ =	shalt  }
0x66: {  	_ =	shalt  }
0x67: {  	_ =	shalt  }
0x68: {  	_ =	shalt  }
0x69: {  	_ =	shalt  }
0x6a: {  	_ =	shalt  }
0x6b: {  	_ =	shalt  }
0x6c: {  	_ =	shalt  }
0x6d: {  	_ =	shalt  }
0x6e: {  	_ =	shalt  }
0x6f: {  	_ =	shalt  }
0x70: {  	_ =	shalt  }
0x71: {  	_ =	shalt  }
0x72: {  	_ =	shalt  }
0x73: {  	_ =	shalt  }
0x74: {  	_ =	shalt  }
0x75: {  	_ =	shalt  }
0x76: {  	_ =	shalt  }
0x77: {  	_ =	shalt  }
0x78: {  	_ =	shalt  }
0x79: {  	_ =	shalt  }
0x7a: {  	_ =	shalt  }
0x7b: {  	_ =	shalt  }
0x7c: {  	_ =	shalt  }
0x7d: {  	_ =	shalt  }
0x7e: {  	_ =	shalt  }
0x7f: {  	_ =	shalt  }
0x80: {  	_ =	shalt  }
0x81: {  	_ =	shalt  }
0x82: {  	_ =	shalt  }
0x83: {  	_ =	shalt  }
0x84: {  	_ =	shalt  }
0x85: {  	_ =	shalt  }
0x86: {  	_ =	shalt  }
0x87: {  	_ =	shalt  }
.Lfunc_end0:
.L_simem_size_0:
called_computation_lowered:
.L_overlay_start_0:
0x88: {  	s2 =	sld [smem:$0x3FD9]  }
0x89: {  	s3 =	sld [smem:$0x3FFE];
	_ =	sdelay $0x1  }
0x8a: {  	s1 =	srdreg.scid  }
0x8b: {  	s0 =	sand.u32 $0x1, s1  }
0x8c: {  	s17 =	sshll.u32 s0, $0xA;
	s2 =	sadd.s32 s3, s2  }
0x8d: {  	s2 =	sadd.s32 s2, s17  }
0x8e: {  	[smem:$0x3FC4] =	sst s2  }
0x8f: {  	_ = 	snop  }
0x90: {  	s2 =	sld [smem:$0x3FC9]  }
0x91: {  	s18 =	sld [smem:$0x3FC8]  }
0x92: {  	s4 =	sld [smem:$0x3FC7]  }
0x93: {  	s5 =	sld [smem:$0x3FC6]  }
0x94: {  	s6 =	sld [smem:$0x3FD0];
	(tm) =	ssettm $0x1  }
0x95: {  	s7 =	sld [smem:$0x3FFB];
	_ =	sdelay $0x3  }
0x96: {  	_ =	strace s7  }
0x97: {  	s7 =	sld [smem:$0x3FFC];
	_ =	sdelay $0x3  }
0x98: {  	_ =	strace s7  }
0x99: {  	s7 =	sld [smem:$0x3FFD];
	_ =	sdelay $0x3  }
0x9a: {  	_ =	strace s7  }
0x9b: {  	_ =	strace $0x8FFFFFFF  }
0x9c: {  	s19 =	sld [smem:$0x3FDB];
	_ =	sdelay $0x1  }
0x9d: {  	s8 =	simm.s32 $_scs_section_size  }
0x9e: {  	s9 =	simm.s32 $_size__tile_overlayer_lowered;
	s10 =	simm.s32 $_tile_overlayer_lowered  }
0x9f: {  	s22 =	simm.s32 $0x1BFF;
	s21 =	sshll.u32 s10, $0x1;
	s7 =	sadd.s32 s8, s19  }
0xa0: {  	s11 =	simm.s32 $0x0;
	s20 =	sshll.u32 s9, $0x1;
	s9 =	sadd.s32 s21, s7  }
0xa1: {  	[timem:s11], [sflag:s22] =	dma.local [hbm:s9], s20  }
0xa2: {  	_ =	swait.ge [sflag:s22], s20  }
0xa3: {  	s8 =	ssub.s32 $0x0, s20;
	[sflag:s22] =	ssyncset.done $0x0  }
0xa4: {  	[sflag:s22] =	ssyncadd.s32 s8;
	_ =	sdelay $0x1  }
0xa5: {  	s23 =	simm.s32 $0x1B8B  }
0xa6: {  	_ =	swait.ge [sflag:s23], $0x1  }
0xa7: {  	[sflag:s23] =	ssyncset.done $0x0  }
0xa8: {  	s25 =	simm.s32 $0x1B8E;
	s24 =	sld [smem:$0x3FFE];
	[sflag:s23] =	ssyncadd.s32 $0xFFFFFFFF  }
0xa9: {  	s26 =	simm.s32 $execute0_lowered;
	[smem:$0x3FD2] =	sst s25  }
0xaa: {  	s9 =	sshll.u32 s26, $0x1;
	_ =	strace $0x80000046;
	[dreg:$0x1] =	wrdreg $0xFFFFFFFF  }
0xab: {  	s28 =	simm.s32 $_size_execute0_lowered;
	s7 =	sadd.s32 s7, s9;
	[dreg:$0x0] =	wrdreg $0x0  }
0xac: {  	s9 =	sshll.u32 s28, $0x1;
	[dreg:$0x2] =	wrdreg s7  }
0xad: {  	[dreg:$0x3] =	wrdreg s9  }
0xae: {  	[dreg:$0x4] =	wrdreg $0xC0  }
0xaf: {  	_ =	task [dreg:s11], $0x5FFFF  }
0xb0: {  	[dreg:$0x1] =	wrdreg $0xFFFFFFFF  }
0xb1: {  	[dreg:$0x0] =	wrdreg $0x60  }
0xb2: {  	[dreg:$0x2] =	wrdreg s2  }
0xb3: {  	[dreg:$0x3] =	wrdreg s18  }
0xb4: {  	[dreg:$0x4] =	wrdreg s4  }
0xb5: {  	[dreg:$0x5] =	wrdreg s5  }
0xb6: {  	[dreg:$0x6] =	wrdreg s24  }
0xb7: {  	[dreg:$0x7] =	wrdreg s6  }
0xb8: {  	[dreg:$0x8] =	wrdreg $0x0  }
0xb9: {  	[dreg:$0x9] =	wrdreg $0x9  }
0xba: {  	_ =	task.clear_ibuf [dreg:s11], $0xAFFFF;
	_ =	strace $0x90000046  }
0xbb: {  	s29 =	simm.s32 $0x9;
	_ =	strace $0x80000048  }
0xbc: {  	_ =	swait.ge [sflag:s29], $0x1  }
0xbd: {  	[sflag:s29] =	ssyncadd.s32 $0xFFFFFFFF  }
0xbe: {  	_ =	strace $0x90000048  }
0xbf: {  	_ =	sfence  }
0xc0: {  	s30 =	sld [smem:$0x0];
	_ =	sdelay $0x2  }
0xc1: {  	s31 =	sshll.u32 s1, $0xD;
	s1 =	sshrl.u32 s1, $0x2  }
0xc2: {  	s3 =	sand.u32 $0x4000, s31;
	s1 =	sadd.s32 s1, s30  }
0xc3: {  	s0 =	sor.u32 s3, s0;
	s1 =	sshll.u32 s1, $0x11  }
0xc4: {  	s0 =	sor.u32 s1, s0  }
0xc5: {  	s0 =	sadd.s32 $0x8F2B, s0  }
0xc6: {  	[sflag:s0] =	ssyncadd.remote.s32 $0x1  }
0xc7: {  	_ =	sfence.sel $0xFFFF  }
0xc8: {  	[dreg:$0x0] =	wrdreg $0xFFFFFFFF;
	(pc) =	sbr.abs _section_cstart, $3  }
0xc9: {  	[dreg:$0x1] =	wrdreg $0xFFFFFFFF  }
0xca: {  	_ =	task.clear_ibuf [dreg:s11], $0x2FFFF;
	_ =	strace $0x9FFFFFFF  }
0xcb: {  	(tm) =	ssettm $0x7FFFFFFF  }
tec
execute0_lowered:
.L_overlay_start_1:
0x0: {  	(tag) =	ssettag $0x1  }
0x1: {  	s0 =	rddreg [dreg:$0x0]  }
0x2: {  	s2 =	rddreg [dreg:$0x1]  }
0x3: {  	s3 =	rddreg [dreg:$0x2]  }
0x4: {  	s4 =	rddreg [dreg:$0x3]  }
0x5: {  	s1 =	rddreg [dreg:$0x4]  }
0x6: {  	s6 =	rddreg [dreg:$0x5]  }
0x7: {  	s5 =	rddreg [dreg:$0x6];
	s7 =	simm.s32 $0x0  }
0x8: {  	s8 =	srdreg.scid;
	s15 =	stileid.u32;
	s22 =	simm.s32 $0x3080  }
0x9: {  	s28 =	simm.s32 $0x7980;
	s29 =	simm.s32 $0x7A00;
	s30 =	simm.s32 $0x8200  }
0xa: {  	s31 =	simm.s32 $0x1;
	[smem:$0x7FF] =	sst s7;
	s10 =	sand.u32 $0x1, s8  }
0xb: {  	s12 =	smul.u32 $0xC000, s15;
	s8 =	sadd.s32 $0x400, s1;
	s13 =	sshll.u32 s15, $0x6  }
0xc: {  	_ =	strace $0x80000047;
	s9 =	ssub.s32 $0x2, s10;
	s11 =	sshll.u32 s10, $0x4  }
0xd: {  	s14 =	smul.u32 $0x30000, s10;
	s10 =	sor.u32 $0x1C03, s13;
	s23 =	sshrl.u32 s9, $0x1  }
0xe: {  	s11 =	sor.u32 s15, s11;
	s12 =	sshrl.u32 s12, $0x2;
	s15 =	smul.u32 $0x3000, s15  }
0xf: {  	s1 =	ssub.s32 s9, s23;
	s9 =	smul.u32 $0x300, s11;
	s12 =	sadd.s32 s12, s5  }
0x10: {  	s11 =	smul.u32 $0x600, s11;
	s24 =	sadd.s32 $0x1000, s12;
	s16 =	sadd.s32 $0x2000, s12  }
0x11: {  	s15 =	sadd.s32 s15, s14;
	s1 =	smax.u32 s1, $0x1;
	s17 =	sshrl.u32 s9, $0x3  }
0x12: {  	s11 =	sadd.s32 s4, s11;
	s14 =	sadd.s32 $0x100, s9;
	[dreg:$0xc] =	wrdreg s1  }
0x13: {  	s25 =	sshrl.u32 s15, $0x3;
	s26 =	sshrl.u32 s24, $0x3;
	[dreg:$0xa] =	wrdreg s11  }
0x14: {  	s20 =	sshrl.u32 s16, $0x3;
	s18 =	sadd.s32 s2, s17;
	[dreg:$0xd] =	wrdreg s26  }
0x15: {  	s24 =	simm.s32 $0x80;
	s17 =	sadd.s32 s3, s17;
	[dreg:$0x8] =	wrdreg s18  }
0x16: {  	s1 =	simm.s32 $0x2;
	s6 =	sadd.s32 s6, s25;
	[dreg:$0x9] =	wrdreg s17  }
0x17: {  	s25 =	simm.s32 $0x3900;
	s26 =	simm.s32 $0x7900;
	[dreg:$0xb] =	wrdreg s6  }
0x18: {  	s17 =	sshrl.u32 s12, $0x3;
	s18 =	simm.s32 $0x3;
	s6 =	simm.s32 $0x0  }
.LBB2_1:
0x19: {  	[spmem:s17], [sflag:s10] =	dma.local [hbm:s8], $0x200  }
0x1a: {  	_ =	swait.ge [sflag:s18], $0x200  }
0x1b: {  	[sflag:s18] =	ssyncset.done $0x0  }
0x1c: {  	s11 =	rddreg [dreg:$0xd];
	[sflag:s18] =	ssyncadd.s32 $0xFFFFFE00  }
0x1d: {  	[spmem:s11], [sflag:s10] =	dma.local [hbm:s8], $0x200  }
0x1e: {  	_ =	swait.ge [sflag:s18], $0x200  }
0x1f: {  	[sflag:s18] =	ssyncset.done $0x0  }
0x20: {  	[sflag:s18] =	ssyncadd.s32 $0xFFFFFE00  }
0x21: {  	[spmem:s20], [sflag:s10] =	dma.local [hbm:s8], $0x200  }
0x22: {  	_ =	swait.ge [sflag:s18], $0x200  }
0x23: {  	[sflag:s18] =	ssyncset.done $0x0  }
0x24: {  	[sflag:s18] =	ssyncadd.s32 $0xFFFFFE00  }
0x25: {  	[bflag:$0x0] =	sbarrier.arrive $0xFFFF  }
0x26: {  	s12 =	simm.s32 $0x3000;
	s19 =	rddreg [dreg:$0x8]  }
0x27: {  	[tilespmem:s12], [sflag:$0x3] =	stream.linear.gather [hbm4b:s19+s7], $0x80, $0x38;
	[tilespmem:$0xC200] =	vst v63  }
0x28: {  	_ =	swait.ge [sflag:s18], $0x80  }
0x29: {  	[sflag:s18] =	ssyncset.done $0x0  }
0x2a: {  	s21 =	rddreg [dreg:$0x9];
	[sflag:s18] =	ssyncadd.s32 $0xFFFFFF80  }
0x2b: {  	[tilespmem:s22], [sflag:$0x3] =	stream.linear.gather [hbm4b:s21+s7], $0x80, $0x38;
	[tilespmem:$0xC200] =	vst v63  }
0x2c: {  	_ =	swait.ge [sflag:s18], $0x80  }
0x2d: {  	[sflag:s18] =	ssyncset.done $0x0  }
0x2e: {  	s13 =	simm.s32 $0x3100;
	s23 =	rddreg [dreg:$0xa];
	[sflag:s18] =	ssyncadd.s32 $0xFFFFFF80  }
0x2f: {  	[tilespmem:s13], [sflag:$0x3] =	stream.linear.gather [hbm4b:s23+s7], $0x800, $0x38;
	[tilespmem:$0xC200] =	vst v63  }
0x30: {  	_ =	swait.ge [sflag:s18], $0x800  }
0x31: {  	[sflag:s18] =	ssyncset.done $0x0  }
0x32: {  	s23 =	simm.s32 $0x0;
	[sflag:s18] =	ssyncadd.s32 $0xFFFFF800  }
0x33: {  	[tilespmem:s25], [sflag:$0x1] =	stream.indirect.gather [hbm4b:s0+s24], $0x80, s12, s24, $0xb8;
	[tilespmem:$0xC200] =	vst v63  }
.LBB2_2:
0x34: {  	s21 =	sshll.u32 s23, $0x8  }
0x35: {  	s11 =	sadd.s32 s21, s9  }
0x36: {  	s11 =	sadd.s32 $0x80, s11  }
0x37: {  	s12 =	sshrl.u32 s11, $0x3  }
0x38: {  	s13 =	sadd.s32 s2, s12  }
0x39: {  	[tilespmem:s26], [sflag:$0x3] =	stream.linear.gather [hbm4b:s13+s7], $0x80, $0x38;
	[tilespmem:$0xC200] =	vst v63  }
0x3a: {  	_ =	swait.ge [sflag:s18], $0x80  }
0x3b: {  	[sflag:s18] =	ssyncset.done $0x0  }
0x3c: {  	s12 =	sadd.s32 s3, s12;
	[sflag:s18] =	ssyncadd.s32 $0xFFFFFF80  }
0x3d: {  	[tilespmem:s28], [sflag:$0x3] =	stream.linear.gather [hbm4b:s12+s7], $0x80, $0x38;
	[tilespmem:$0xC200] =	vst v63  }
0x3e: {  	s11 =	sshll.u32 s11, $0x1;
	_ =	swait.ge [sflag:s18], $0x80  }
0x3f: {  	s11 =	sand.u32 $0x1FFFFF00, s11;
	[sflag:s18] =	ssyncset.done $0x0  }
0x40: {  	s11 =	sadd.s32 s4, s11;
	[sflag:s18] =	ssyncadd.s32 $0xFFFFFF80  }
0x41: {  	[tilespmem:s29], [sflag:$0x3] =	stream.linear.gather [hbm4b:s11+s7], $0x800, $0x38;
	[tilespmem:$0xC200] =	vst v63  }
0x42: {  	_ =	swait.ge [sflag:s18], $0x800  }
0x43: {  	[sflag:s18] =	ssyncset.done $0x0  }
0x44: {  	[sflag:s18] =	ssyncadd.s32 $0xFFFFF800  }
0x45: {  	[tilespmem:s30], [sflag:$0x2] =	stream.indirect.gather [hbm4b:s0+s24], $0x80, s26, s24, $0xb8;
	[tilespmem:$0xC200] =	vst v63  }
0x46: {  	_ =	swait.ge [sflag:s31], $0x4000  }
0x47: {  	[sflag:s31] =	ssyncset.done $0x0  }
0x48: {  	s12 =	simm.s32 $0x3A00;
	[sflag:s31] =	ssyncadd.s32 $0xFFFFC000  }
0x49: {  	s13 =	simm.s32 $0x3120;
	v0 =	vld [tilespmem:s12+$0xFFFFFF00]  }
0x4a: {  	v2 =	vld [tilespmem:s13+$0xFFFFFFE0]  }
0x4b: {  	v3 =	vld [tilespmem:s12+$0xFFFFFF60]  }
0x4c: {  	v4 =	vld [tilespmem:s12+$0xFFFFFF20]  }
0x4d: {  	v1 =	vld [tilespmem:s12+$0xFFFFFF70]  }
0x4e: {  	v5 =	vld [tilespmem:s12+$0xFFFFFF50]  }
0x4f: {  	v7 =	vld [tilespmem:s12+$0xFFFFFF40];
	v0 =	vmul.f32 v0, v2  }
0x50: {  	v8 =	vld [tilespmem:s12+$0xFFFFFF10];
	v3 =	vmul.f32 v3, v2  }
0x51: {  	v6 =	vld [tilespmem:s12+$0xFFFFFF30];
	v4 =	vmul.f32 v4, v2;
	[tilespmem:s12+$0xFFFFFF00] =	vst v0  }
0x52: {  	v1 =	vmul.f32 v1, v2;
	[tilespmem:s12+$0xFFFFFF60] =	vst v3  }
0x53: {  	v0 =	vmul.f32 v5, v2;
	[tilespmem:s12+$0xFFFFFF20] =	vst v4  }
0x54: {  	v3 =	vmul.f32 v7, v2;
	[tilespmem:s12+$0xFFFFFF70] =	vst v1  }
0x55: {  	v1 =	vmul.f32 v8, v2;
	[tilespmem:s12+$0xFFFFFF50] =	vst v0  }
0x56: {  	v0 =	vmul.f32 v6, v2;
	[tilespmem:s12+$0xFFFFFF40] =	vst v3  }
0x57: {  	[tilespmem:s12+$0xFFFFFF10] =	vst v1  }
0x58: {  	[tilespmem:s12+$0xFFFFFF30] =	vst v0;
	v0 =	vld [tilespmem:s12+$0xFFFFFF80]  }
0x59: {  	v1 =	vld [tilespmem:s13+$0xFFFFFFF0]  }
0x5a: {  	v2 =	vld [tilespmem:s12+$0xFFFFFF90]  }
0x5b: {  	v3 =	vld [tilespmem:s12+$0xFFFFFFA0]  }
0x5c: {  	v4 =	vld [tilespmem:s12+$0xFFFFFFB0]  }
0x5d: {  	v5 =	vld [tilespmem:s12+$0xFFFFFFF0]  }
0x5e: {  	v6 =	vld [tilespmem:s12+$0xFFFFFFD0];
	v0 =	vmul.f32 v0, v1  }
0x5f: {  	v7 =	vld [tilespmem:s12+$0xFFFFFFE0];
	v2 =	vmul.f32 v2, v1  }
0x60: {  	v62 =	vld [tilespmem:s12+$0xFFFFFFC0];
	v3 =	vmul.f32 v3, v1;
	[tilespmem:s12+$0xFFFFFF80] =	vst v0  }
0x61: {  	v0 =	vmul.f32 v4, v1;
	[tilespmem:s12+$0xFFFFFF90] =	vst v2  }
0x62: {  	v2 =	vmul.f32 v5, v1;
	[tilespmem:s12+$0xFFFFFFA0] =	vst v3  }
0x63: {  	v3 =	vmul.f32 v6, v1;
	[tilespmem:s12+$0xFFFFFFB0] =	vst v0  }
0x64: {  	v0 =	vmul.f32 v7, v1;
	[tilespmem:s12+$0xFFFFFFF0] =	vst v2  }
0x65: {  	v63 =	vld [tilespmem:s12+$0x60];
	v1 =	vmul.f32 v62, v1;
	[tilespmem:s12+$0xFFFFFFD0] =	vst v3  }
0x66: {  	v4 =	vld [tilespmem:s12+$0x40];
	[tilespmem:s12+$0xFFFFFFE0] =	vst v0  }
0x67: {  	v0 =	vld [tilespmem:s12+$0x0];
	[tilespmem:s12+$0xFFFFFFC0] =	vst v1  }
0x68: {  	v3 =	vld [tilespmem:s13+$0x0]  }
0x69: {  	v1 =	vld [tilespmem:s12+$0x20]  }
0x6a: {  	v6 =	vld [tilespmem:s12+$0x70]  }
0x6b: {  	v2 =	vld [tilespmem:s12+$0x50]  }
0x6c: {  	v7 =	vld [tilespmem:s12+$0x30]  }
0x6d: {  	v5 =	vld [tilespmem:s12+$0x10];
	v0 =	vmul.f32 v0, v3  }
0x6e: {  	v1 =	vmul.f32 v1, v3  }
0x6f: {  	[tilespmem:s12+$0x0] =	vst v0;
	v0 =	vmul.f32 v4, v3  }
0x70: {  	[tilespmem:s12+$0x20] =	vst v1;
	v1 =	vmul.f32 v2, v3  }
0x71: {  	v2 =	vmul.f32 v6, v3;
	v4 =	vmul.f32 v7, v3;
	[tilespmem:s12+$0x40] =	vst v0  }
0x72: {  	v6 =	vmul.f32 v63, v3;
	v3 =	vmul.f32 v5, v3;
	v5 =	vld [tilespmem:s12+$0x80];
	[tilespmem:s12+$0x50] =	vst v1  }
0x73: {  	v0 =	vld [tilespmem:s12+$0xA0];
	[tilespmem:s12+$0x70] =	vst v2  }
0x74: {  	v1 =	vld [tilespmem:s12+$0xB0];
	[tilespmem:s12+$0x30] =	vst v4  }
0x75: {  	v2 =	vld [tilespmem:s12+$0xE0];
	[tilespmem:s12+$0x60] =	vst v6  }
0x76: {  	s15 =	simm.s32 $0x4;
	s16 =	simm.s32 $0x3160;
	[tilespmem:s12+$0x10] =	vst v3;
	v4 =	vld [tilespmem:s12+$0x90]  }
0x77: {  	s19 =	simm.s32 $0x3C00;
	s11 =	simm.s32 $0x3C00;
	v3 =	vld [tilespmem:s13+$0x10];
	s13 =	simm.s32 $0x3160  }
.LBB2_3:
0x78: {  	s15 =	sadd.s32 $0x4, s15;
	s16 =	sadd.s32 $0x40, s16;
	s19 =	sadd.s32 $0x200, s19;
	v6 =	vld [tilespmem:s12+$0xC0]  }
0x79: {  	p0 =	slt.u32 s15, $0x7C;
	v7 =	vld [tilespmem:s12+$0xD0]  }
0x7a: {  	v8 =	vld [tilespmem:s12+$0xF0];
	_ =	sdelay $0x1  }
0x7b: {  	v5 =	vmul.f32 v5, v3;
	v4 =	vmul.f32 v4, v3  }
0x7c: {  	v0 =	vmul.f32 v0, v3;
	v1 =	vmul.f32 v1, v3  }
0x7d: {  	[tilespmem:s12+$0x80] =	vst v5;
	v5 =	vmul.f32 v6, v3;
	v6 =	vmul.f32 v7, v3  }
0x7e: {  	v2 =	vmul.f32 v2, v3;
	[tilespmem:s12+$0xA0] =	vst v0;
	v3 =	vmul.f32 v8, v3  }
0x7f: {  	v0 =	vld [tilespmem:s11+$0xA0];
	[tilespmem:s12+$0xB0] =	vst v1  }
0x80: {  	v1 =	vld [tilespmem:s11+$0xB0];
	[tilespmem:s12+$0xC0] =	vst v5  }
0x81: {  	v5 =	vld [tilespmem:s11+$0xFFFFFF00];
	[tilespmem:s12+$0xE0] =	vst v2  }
0x82: {  	v2 =	vld [tilespmem:s11+$0xFFFFFF70];
	[tilespmem:s12+$0x90] =	vst v4  }
0x83: {  	v4 =	vld [tilespmem:s11+$0xFFFFFF50];
	[tilespmem:s12+$0xD0] =	vst v6  }
0x84: {  	v6 =	vld [tilespmem:s11+$0xFFFFFF20];
	[tilespmem:s12+$0xF0] =	vst v3;
	s12 =	smov.u32 s11;
	s11 =	smov.u32 s19  }
0x85: {  	v3 =	vld [tilespmem:s12+$0xFFFFFF60]  }
0x86: {  	v7 =	vld [tilespmem:s13+$0xFFFFFFE0]  }
0x87: {  	v8 =	vld [tilespmem:s12+$0xFFFFFF30]  }
0x88: {  	v9 =	vld [tilespmem:s12+$0xFFFFFF10]  }
0x89: {  	v10 =	vld [tilespmem:s12+$0xFFFFFF40];
	_ =	sdelay $0x1  }
0x8a: {  	v5 =	vmul.f32 v5, v7;
	v3 =	vmul.f32 v3, v7  }
0x8b: {  	v6 =	vmul.f32 v6, v7;
	v8 =	vmul.f32 v8, v7  }
0x8c: {  	v4 =	vmul.f32 v4, v7;
	[tilespmem:s12+$0xFFFFFF00] =	vst v5;
	v5 =	vmul.f32 v9, v7  }
0x8d: {  	v2 =	vmul.f32 v2, v7;
	v9 =	vmul.f32 v10, v7;
	[tilespmem:s12+$0xFFFFFF60] =	vst v3  }
0x8e: {  	[tilespmem:s12+$0xFFFFFF20] =	vst v6  }
0x8f: {  	[tilespmem:s12+$0xFFFFFF50] =	vst v4;
	v3 =	vld [tilespmem:s12+$0xFFFFFFF0]  }
0x90: {  	[tilespmem:s12+$0xFFFFFF70] =	vst v2;
	v2 =	vld [tilespmem:s12+$0xFFFFFF80]  }
0x91: {  	[tilespmem:s12+$0xFFFFFF40] =	vst v9;
	v4 =	vld [tilespmem:s12+$0xFFFFFFA0]  }
0x92: {  	[tilespmem:s12+$0xFFFFFF30] =	vst v8;
	v6 =	vld [tilespmem:s12+$0xFFFFFF90]  }
0x93: {  	[tilespmem:s12+$0xFFFFFF10] =	vst v5;
	v5 =	vld [tilespmem:s12+$0xFFFFFFB0]  }
0x94: {  	v7 =	vld [tilespmem:s13+$0xFFFFFFF0]  }
0x95: {  	v8 =	vld [tilespmem:s12+$0xFFFFFFD0]  }
0x96: {  	v9 =	vld [tilespmem:s12+$0xFFFFFFC0]  }
0x97: {  	v10 =	vld [tilespmem:s12+$0xFFFFFFE0];
	_ =	sdelay $0x1  }
0x98: {  	v2 =	vmul.f32 v2, v7;
	v6 =	vmul.f32 v6, v7  }
0x99: {  	v4 =	vmul.f32 v4, v7;
	v5 =	vmul.f32 v5, v7  }
0x9a: {  	v8 =	vmul.f32 v8, v7;
	[tilespmem:s12+$0xFFFFFF80] =	vst v2;
	v2 =	vmul.f32 v9, v7  }
0x9b: {  	v3 =	vmul.f32 v3, v7;
	[tilespmem:s12+$0xFFFFFF90] =	vst v6;
	v6 =	vmul.f32 v10, v7  }
0x9c: {  	[tilespmem:s12+$0xFFFFFFA0] =	vst v4  }
0x9d: {  	[tilespmem:s12+$0xFFFFFFB0] =	vst v5;
	v4 =	vld [tilespmem:s12+$0x50]  }
0x9e: {  	[tilespmem:s12+$0xFFFFFFF0] =	vst v3;
	v3 =	vld [tilespmem:s12+$0x40]  }
0x9f: {  	[tilespmem:s12+$0xFFFFFFD0] =	vst v8;
	v5 =	vld [tilespmem:s12+$0x20]  }
0xa0: {  	[tilespmem:s12+$0xFFFFFFE0] =	vst v6;
	v6 =	vld [tilespmem:s12+$0x0]  }
0xa1: {  	[tilespmem:s12+$0xFFFFFFC0] =	vst v2;
	v2 =	vld [tilespmem:s12+$0x10]  }
0xa2: {  	v7 =	vld [tilespmem:s13+$0x0]  }
0xa3: {  	v8 =	vld [tilespmem:s12+$0x30]  }
0xa4: {  	v9 =	vld [tilespmem:s12+$0x60]  }
0xa5: {  	v10 =	vld [tilespmem:s12+$0x70];
	_ =	sdelay $0x1  }
0xa6: {  	v6 =	vmul.f32 v6, v7;
	v11 =	vmul.f32 v2, v7  }
0xa7: {  	v2 =	vmul.f32 v5, v7;
	v5 =	vmul.f32 v8, v7  }
0xa8: {  	v3 =	vmul.f32 v3, v7;
	[tilespmem:s12+$0x0] =	vst v6;
	v6 =	vmul.f32 v9, v7  }
0xa9: {  	[tilespmem:s12+$0x20] =	vst v2;
	v2 =	vmul.f32 v4, v7;
	v4 =	vmul.f32 v10, v7  }
0xaa: {  	[tilespmem:s12+$0x40] =	vst v3  }
0xab: {  	[tilespmem:s12+$0x50] =	vst v2  }
.Ltmp0:
0xac: {  	[tilespmem:s12+$0x70] =	vst v4;
	(pc) =	sbr.rel @p0 .LBB2_3-.Ltmp0, $4  }
0xad: {  	[tilespmem:s12+$0x30] =	vst v5;
	v2 =	vld [tilespmem:s12+$0xE0]  }
0xae: {  	[tilespmem:s12+$0x10] =	vst v11;
	v5 =	vld [tilespmem:s12+$0x80]  }
0xaf: {  	[tilespmem:s12+$0x60] =	vst v6;
	v4 =	vld [tilespmem:s12+$0x90]  }
0xb0: {  	v3 =	vld [tilespmem:s13+$0x10];
	s13 =	smov.u32 s16  }
0xb1: {  	_ =	sdelay $0x1  }
0xb2: {  	v6 =	vld [tilespmem:s12+$0xC0];
	_ =	sdelay $0x1  }
0xb3: {  	v5 =	vmul.f32 v5, v3  }
0xb4: {  	v7 =	vld [tilespmem:s12+$0xD0];
	v0 =	vmul.f32 v0, v3  }
0xb5: {  	v1 =	vmul.f32 v1, v3;
	[tilespmem:s12+$0x80] =	vst v5;
	v5 =	vld [tilespmem:s12+$0xF0]  }
0xb6: {  	v6 =	vmul.f32 v6, v3;
	[tilespmem:s12+$0xA0] =	vst v0  }
0xb7: {  	v4 =	vmul.f32 v4, v3;
	v0 =	vld [tilespmem:s11+$0xA0];
	[tilespmem:s12+$0xB0] =	vst v1  }
0xb8: {  	v1 =	vmul.f32 v2, v3;
	v2 =	vld [tilespmem:s11+$0xB0];
	[tilespmem:s12+$0xC0] =	vst v6  }
0xb9: {  	v6 =	vmul.f32 v7, v3;
	[tilespmem:s12+$0x90] =	vst v4  }
0xba: {  	[tilespmem:s12+$0xE0] =	vst v1;
	v1 =	vmul.f32 v5, v3  }
0xbb: {  	[tilespmem:s12+$0xD0] =	vst v6  }
0xbc: {  	v3 =	vld [tilespmem:s11+$0xFFFFFF00];
	[tilespmem:s12+$0xF0] =	vst v1  }
0xbd: {  	v1 =	vld [tilespmem:s13+$0xFFFFFFE0]  }
0xbe: {  	v5 =	vld [tilespmem:s11+$0xFFFFFF60]  }
0xbf: {  	v6 =	vld [tilespmem:s11+$0xFFFFFF20]  }
0xc0: {  	v4 =	vld [tilespmem:s11+$0xFFFFFF70]  }
0xc1: {  	v7 =	vld [tilespmem:s11+$0xFFFFFF50]  }
0xc2: {  	v9 =	vld [tilespmem:s11+$0xFFFFFF40];
	v3 =	vmul.f32 v3, v1  }
0xc3: {  	v8 =	vld [tilespmem:s11+$0xFFFFFF30];
	v5 =	vmul.f32 v5, v1  }
0xc4: {  	v10 =	vld [tilespmem:s11+$0xFFFFFF10];
	v6 =	vmul.f32 v6, v1;
	[tilespmem:s11+$0xFFFFFF00] =	vst v3  }
0xc5: {  	v4 =	vmul.f32 v4, v1;
	[tilespmem:s11+$0xFFFFFF60] =	vst v5  }
0xc6: {  	v3 =	vmul.f32 v7, v1;
	[tilespmem:s11+$0xFFFFFF20] =	vst v6  }
0xc7: {  	v5 =	vmul.f32 v9, v1;
	[tilespmem:s11+$0xFFFFFF70] =	vst v4  }
0xc8: {  	[tilespmem:s11+$0xFFFFFF50] =	vst v3;
	v3 =	vmul.f32 v8, v1  }
0xc9: {  	v1 =	vmul.f32 v10, v1;
	[tilespmem:s11+$0xFFFFFF40] =	vst v5  }
0xca: {  	[tilespmem:s11+$0xFFFFFF30] =	vst v3  }
0xcb: {  	v3 =	vld [tilespmem:s11+$0xFFFFFF80];
	[tilespmem:s11+$0xFFFFFF10] =	vst v1  }
0xcc: {  	v1 =	vld [tilespmem:s13+$0xFFFFFFF0]  }
0xcd: {  	v4 =	vld [tilespmem:s11+$0xFFFFFF90]  }
0xce: {  	v5 =	vld [tilespmem:s11+$0xFFFFFFA0]  }
0xcf: {  	v6 =	vld [tilespmem:s11+$0xFFFFFFB0]  }
0xd0: {  	v7 =	vld [tilespmem:s11+$0xFFFFFFF0]  }
0xd1: {  	v54 =	vld [tilespmem:s11+$0xFFFFFFD0];
	v3 =	vmul.f32 v3, v1  }
0xd2: {  	v55 =	vld [tilespmem:s11+$0xFFFFFFE0];
	v4 =	vmul.f32 v4, v1  }
0xd3: {  	v56 =	vld [tilespmem:s11+$0xFFFFFFC0];
	v5 =	vmul.f32 v5, v1;
	[tilespmem:s11+$0xFFFFFF80] =	vst v3  }
0xd4: {  	v3 =	vmul.f32 v6, v1;
	[tilespmem:s11+$0xFFFFFF90] =	vst v4  }
0xd5: {  	v4 =	vmul.f32 v7, v1;
	[tilespmem:s11+$0xFFFFFFA0] =	vst v5  }
0xd6: {  	v5 =	vmul.f32 v54, v1;
	[tilespmem:s11+$0xFFFFFFB0] =	vst v3  }
0xd7: {  	v3 =	vmul.f32 v55, v1;
	[tilespmem:s11+$0xFFFFFFF0] =	vst v4  }
0xd8: {  	v1 =	vmul.f32 v56, v1;
	[tilespmem:s11+$0xFFFFFFD0] =	vst v5  }
0xd9: {  	[tilespmem:s11+$0xFFFFFFE0] =	vst v3  }
0xda: {  	v3 =	vld [tilespmem:s11+$0x0];
	[tilespmem:s11+$0xFFFFFFC0] =	vst v1  }
0xdb: {  	v1 =	vld [tilespmem:s13+$0x0]  }
0xdc: {  	v4 =	vld [tilespmem:s11+$0x20]  }
0xdd: {  	v5 =	vld [tilespmem:s11+$0x40]  }
0xde: {  	v6 =	vld [tilespmem:s11+$0x50]  }
0xdf: {  	v7 =	vld [tilespmem:s11+$0x70]  }
0xe0: {  	v57 =	vld [tilespmem:s11+$0x30];
	v3 =	vmul.f32 v3, v1  }
0xe1: {  	v58 =	vld [tilespmem:s11+$0x10];
	v4 =	vmul.f32 v4, v1  }
0xe2: {  	v59 =	vld [tilespmem:s11+$0x60];
	[tilespmem:s11+$0x0] =	vst v3;
	v3 =	vmul.f32 v5, v1  }
0xe3: {  	[tilespmem:s11+$0x20] =	vst v4;
	v4 =	vmul.f32 v6, v1  }
0xe4: {  	v5 =	vmul.f32 v7, v1;
	[tilespmem:s11+$0x40] =	vst v3  }
0xe5: {  	v3 =	vmul.f32 v57, v1;
	[tilespmem:s11+$0x50] =	vst v4  }
0xe6: {  	v4 =	vmul.f32 v58, v1;
	[tilespmem:s11+$0x70] =	vst v5  }
0xe7: {  	v1 =	vmul.f32 v59, v1;
	[tilespmem:s11+$0x30] =	vst v3  }
0xe8: {  	[tilespmem:s11+$0x10] =	vst v4  }
0xe9: {  	v3 =	vld [tilespmem:s11+$0x80];
	[tilespmem:s11+$0x60] =	vst v1  }
0xea: {  	v1 =	vld [tilespmem:s13+$0x10];
	_ =	sdelay $0x2  }
0xeb: {  	v4 =	vld [tilespmem:s11+$0xC0]  }
0xec: {  	v5 =	vld [tilespmem:s11+$0xE0]  }
0xed: {  	v6 =	vld [tilespmem:s11+$0x90];
	v3 =	vmul.f32 v3, v1  }
0xee: {  	v7 =	vld [tilespmem:s11+$0xD0];
	v0 =	vmul.f32 v0, v1  }
0xef: {  	v60 =	vld [tilespmem:s11+$0xF0];
	v2 =	vmul.f32 v2, v1;
	[tilespmem:s11+$0x80] =	vst v3  }
0xf0: {  	v3 =	vmul.f32 v4, v1;
	[tilespmem:s11+$0xA0] =	vst v0  }
0xf1: {  	v0 =	vmul.f32 v5, v1;
	[tilespmem:s11+$0xB0] =	vst v2  }
0xf2: {  	v2 =	vmul.f32 v6, v1;
	[tilespmem:s11+$0xC0] =	vst v3  }
0xf3: {  	v3 =	vmul.f32 v7, v1;
	[tilespmem:s11+$0xE0] =	vst v0  }
0xf4: {  	v0 =	vmul.f32 v60, v1;
	[tilespmem:s11+$0x90] =	vst v2  }
0xf5: {  	[tilespmem:s11+$0xD0] =	vst v3  }
0xf6: {  	p0 =	seq.s32 s23, $0x2;
	[tilespmem:s11+$0xF0] =	vst v0  }
0xf7: {  	[spmem:s5] =	stream.indirect.scatter.add.f32 [tilespmem:s25], [sflag:$0x3], $0x80, s22, s24, $0xb8;
	[tilespmem:$0xC200] =	vst v63  }
0xf8: {  	s11 =	sadd.s32 @!p0 s21, s14;
	_ =	swait.ge [sflag:s18], $0x4000  }
0xf9: {  	s15 =	simm.s32 @!p0 $0x0;
	s12 =	sshrl.u32 @!p0 s11, $0x3;
	[sflag:s18] =	ssyncset.done $0x0  }
0xfa: {  	s16 =	simm.s32 @!p0 $0x3000;
	s13 =	sadd.s32 @!p0 s2, s12;
	[sflag:s18] =	ssyncadd.s32 $0xFFFFC000  }
0xfb: {  	[tilespmem:s16], [sflag:$0x3] =	stream.linear.gather @!p0 [hbm4b:s13+s15], $0x80, $0x38;
	[tilespmem:$0xC200] =	vst v63  }
0xfc: {  	s13 =	simm.s32 @!p0 $0x3  }
0xfd: {  	_ =	swait.ge @!p0 [sflag:s13], $0x80  }
0xfe: {  	[sflag:s13] =	ssyncset.done @!p0 $0x0  }
0xff: {  	s19 =	simm.s32 @!p0 $0x3080;
	s12 =	sadd.s32 @!p0 s3, s12;
	[sflag:s13] =	ssyncadd.s32 @!p0 $0xFFFFFF80  }
0x100: {  	[tilespmem:s19], [sflag:$0x3] =	stream.linear.gather @!p0 [hbm4b:s12+s15], $0x80, $0x38;
	[tilespmem:$0xC200] =	vst v63  }
0x101: {  	s11 =	sshll.u32 @!p0 s11, $0x1;
	_ =	swait.ge @!p0 [sflag:s13], $0x80  }
0x102: {  	s11 =	sand.u32 @!p0 $0x1FFFFE00, s11;
	[sflag:s13] =	ssyncset.done @!p0 $0x0  }
0x103: {  	s11 =	sadd.s32 @!p0 s4, s11;
	s12 =	simm.s32 @!p0 $0x3100;
	[sflag:s13] =	ssyncadd.s32 @!p0 $0xFFFFFF80  }
0x104: {  	[tilespmem:s12], [sflag:$0x3] =	stream.linear.gather @!p0 [hbm4b:s11+s15], $0x800, $0x38;
	[tilespmem:$0xC200] =	vst v63  }
0x105: {  	_ =	swait.ge @!p0 [sflag:s13], $0x800  }
0x106: {  	[sflag:s13] =	ssyncset.done @!p0 $0x0  }
0x107: {  	s11 =	simm.s32 @!p0 $0x80;
	s12 =	simm.s32 @!p0 $0x3900;
	[sflag:s13] =	ssyncadd.s32 @!p0 $0xFFFFF800  }
0x108: {  	[tilespmem:s12], [sflag:$0x1] =	stream.indirect.gather @!p0 [hbm4b:s0+s11], $0x80, s16, s11, $0xb8;
	[tilespmem:$0xC200] =	vst v63  }
0x109: {  	_ =	swait.ge [sflag:s1], $0x4000  }
0x10a: {  	[sflag:s1] =	ssyncset.done $0x0  }
0x10b: {  	s21 =	simm.s32 $0x8300;
	[sflag:s1] =	ssyncadd.s32 $0xFFFFC000  }
0x10c: {  	s19 =	simm.s32 $0x7A20;
	v0 =	vld [tilespmem:s21+$0xFFFFFF00]  }
0x10d: {  	v2 =	vld [tilespmem:s19+$0xFFFFFFE0]  }
0x10e: {  	v3 =	vld [tilespmem:s21+$0xFFFFFF60]  }
0x10f: {  	v4 =	vld [tilespmem:s21+$0xFFFFFF20]  }
0x110: {  	v1 =	vld [tilespmem:s21+$0xFFFFFF70]  }
0x111: {  	v5 =	vld [tilespmem:s21+$0xFFFFFF50]  }
0x112: {  	v7 =	vld [tilespmem:s21+$0xFFFFFF40];
	v0 =	vmul.f32 v0, v2  }
0x113: {  	v61 =	vld [tilespmem:s21+$0xFFFFFF10];
	v3 =	vmul.f32 v3, v2  }
0x114: {  	v6 =	vld [tilespmem:s21+$0xFFFFFF30];
	v4 =	vmul.f32 v4, v2;
	[tilespmem:s21+$0xFFFFFF00] =	vst v0  }
0x115: {  	v1 =	vmul.f32 v1, v2;
	[tilespmem:s21+$0xFFFFFF60] =	vst v3  }
0x116: {  	v0 =	vmul.f32 v5, v2;
	[tilespmem:s21+$0xFFFFFF20] =	vst v4  }
0x117: {  	v3 =	vmul.f32 v7, v2;
	[tilespmem:s21+$0xFFFFFF70] =	vst v1  }
0x118: {  	v1 =	vmul.f32 v61, v2;
	[tilespmem:s21+$0xFFFFFF50] =	vst v0  }
0x119: {  	v0 =	vmul.f32 v6, v2;
	[tilespmem:s21+$0xFFFFFF40] =	vst v3  }
0x11a: {  	[tilespmem:s21+$0xFFFFFF10] =	vst v1  }
0x11b: {  	[tilespmem:s21+$0xFFFFFF30] =	vst v0;
	v0 =	vld [tilespmem:s21+$0xFFFFFF80]  }
0x11c: {  	v1 =	vld [tilespmem:s19+$0xFFFFFFF0]  }
0x11d: {  	v2 =	vld [tilespmem:s21+$0xFFFFFF90]  }
0x11e: {  	v3 =	vld [tilespmem:s21+$0xFFFFFFA0]  }
0x11f: {  	v4 =	vld [tilespmem:s21+$0xFFFFFFB0]  }
0x120: {  	v5 =	vld [tilespmem:s21+$0xFFFFFFF0]  }
0x121: {  	v6 =	vld [tilespmem:s21+$0xFFFFFFD0];
	v0 =	vmul.f32 v0, v1  }
0x122: {  	v7 =	vld [tilespmem:s21+$0xFFFFFFE0];
	v2 =	vmul.f32 v2, v1  }
0x123: {  	v62 =	vld [tilespmem:s21+$0xFFFFFFC0];
	v3 =	vmul.f32 v3, v1;
	[tilespmem:s21+$0xFFFFFF80] =	vst v0  }
0x124: {  	v0 =	vmul.f32 v4, v1;
	[tilespmem:s21+$0xFFFFFF90] =	vst v2  }
0x125: {  	v2 =	vmul.f32 v5, v1;
	[tilespmem:s21+$0xFFFFFFA0] =	vst v3  }
0x126: {  	v3 =	vmul.f32 v6, v1;
	[tilespmem:s21+$0xFFFFFFB0] =	vst v0  }
0x127: {  	v0 =	vmul.f32 v7, v1;
	[tilespmem:s21+$0xFFFFFFF0] =	vst v2  }
0x128: {  	v63 =	vld [tilespmem:s21+$0x60];
	v1 =	vmul.f32 v62, v1;
	[tilespmem:s21+$0xFFFFFFD0] =	vst v3  }
0x129: {  	v4 =	vld [tilespmem:s21+$0x40];
	[tilespmem:s21+$0xFFFFFFE0] =	vst v0  }
0x12a: {  	v0 =	vld [tilespmem:s21+$0x0];
	[tilespmem:s21+$0xFFFFFFC0] =	vst v1  }
0x12b: {  	v3 =	vld [tilespmem:s19+$0x0]  }
0x12c: {  	v1 =	vld [tilespmem:s21+$0x20]  }
0x12d: {  	v6 =	vld [tilespmem:s21+$0x70]  }
0x12e: {  	v2 =	vld [tilespmem:s21+$0x50]  }
0x12f: {  	v7 =	vld [tilespmem:s21+$0x30]  }
0x130: {  	v5 =	vld [tilespmem:s21+$0x10];
	v0 =	vmul.f32 v0, v3  }
0x131: {  	v1 =	vmul.f32 v1, v3  }
0x132: {  	[tilespmem:s21+$0x0] =	vst v0;
	v0 =	vmul.f32 v4, v3  }
0x133: {  	[tilespmem:s21+$0x20] =	vst v1;
	v1 =	vmul.f32 v2, v3  }
0x134: {  	v2 =	vmul.f32 v6, v3;
	v4 =	vmul.f32 v7, v3;
	[tilespmem:s21+$0x40] =	vst v0  }
0x135: {  	v6 =	vmul.f32 v63, v3;
	v3 =	vmul.f32 v5, v3;
	v5 =	vld [tilespmem:s21+$0x80];
	[tilespmem:s21+$0x50] =	vst v1  }
0x136: {  	v0 =	vld [tilespmem:s21+$0xA0];
	[tilespmem:s21+$0x70] =	vst v2  }
0x137: {  	v1 =	vld [tilespmem:s21+$0xB0];
	[tilespmem:s21+$0x30] =	vst v4  }
0x138: {  	v2 =	vld [tilespmem:s21+$0xE0];
	[tilespmem:s21+$0x60] =	vst v6  }
0x139: {  	s23 =	sadd.s32 $0x1, s23;
	s15 =	simm.s32 $0x7A60;
	s13 =	simm.s32 $0x4;
	[tilespmem:s21+$0x10] =	vst v3;
	v4 =	vld [tilespmem:s21+$0x90]  }
0x13a: {  	s16 =	simm.s32 $0x8500;
	s11 =	simm.s32 $0x8500;
	s12 =	simm.s32 $0x7A60;
	v3 =	vld [tilespmem:s19+$0x10]  }
.LBB2_5:
0x13b: {  	s13 =	sadd.s32 $0x4, s13;
	s15 =	sadd.s32 $0x40, s15;
	s16 =	sadd.s32 $0x200, s16;
	v6 =	vld [tilespmem:s21+$0xC0]  }
0x13c: {  	p0 =	slt.u32 s13, $0x7C;
	v7 =	vld [tilespmem:s21+$0xD0]  }
0x13d: {  	v8 =	vld [tilespmem:s21+$0xF0];
	_ =	sdelay $0x1  }
0x13e: {  	v5 =	vmul.f32 v5, v3;
	v4 =	vmul.f32 v4, v3  }
0x13f: {  	v0 =	vmul.f32 v0, v3;
	v1 =	vmul.f32 v1, v3  }
0x140: {  	[tilespmem:s21+$0x80] =	vst v5;
	v5 =	vmul.f32 v6, v3;
	v6 =	vmul.f32 v7, v3  }
0x141: {  	v2 =	vmul.f32 v2, v3;
	[tilespmem:s21+$0xA0] =	vst v0;
	v3 =	vmul.f32 v8, v3  }
0x142: {  	v0 =	vld [tilespmem:s11+$0xA0];
	[tilespmem:s21+$0xB0] =	vst v1  }
0x143: {  	v1 =	vld [tilespmem:s11+$0xB0];
	[tilespmem:s21+$0xC0] =	vst v5  }
0x144: {  	v5 =	vld [tilespmem:s11+$0xFFFFFF00];
	[tilespmem:s21+$0xE0] =	vst v2  }
0x145: {  	v2 =	vld [tilespmem:s11+$0xFFFFFF70];
	[tilespmem:s21+$0x90] =	vst v4  }
0x146: {  	v4 =	vld [tilespmem:s11+$0xFFFFFF50];
	[tilespmem:s21+$0xD0] =	vst v6  }
0x147: {  	v6 =	vld [tilespmem:s11+$0xFFFFFF20];
	[tilespmem:s21+$0xF0] =	vst v3;
	s21 =	smov.u32 s11;
	s11 =	smov.u32 s16  }
0x148: {  	v3 =	vld [tilespmem:s21+$0xFFFFFF60]  }
0x149: {  	v7 =	vld [tilespmem:s12+$0xFFFFFFE0]  }
0x14a: {  	v8 =	vld [tilespmem:s21+$0xFFFFFF30]  }
0x14b: {  	v9 =	vld [tilespmem:s21+$0xFFFFFF10]  }
0x14c: {  	v10 =	vld [tilespmem:s21+$0xFFFFFF40];
	_ =	sdelay $0x1  }
0x14d: {  	v5 =	vmul.f32 v5, v7;
	v3 =	vmul.f32 v3, v7  }
0x14e: {  	v6 =	vmul.f32 v6, v7;
	v8 =	vmul.f32 v8, v7  }
0x14f: {  	v4 =	vmul.f32 v4, v7;
	[tilespmem:s21+$0xFFFFFF00] =	vst v5;
	v5 =	vmul.f32 v9, v7  }
0x150: {  	v2 =	vmul.f32 v2, v7;
	v9 =	vmul.f32 v10, v7;
	[tilespmem:s21+$0xFFFFFF60] =	vst v3  }
0x151: {  	[tilespmem:s21+$0xFFFFFF20] =	vst v6  }
0x152: {  	[tilespmem:s21+$0xFFFFFF50] =	vst v4;
	v3 =	vld [tilespmem:s21+$0xFFFFFFF0]  }
0x153: {  	[tilespmem:s21+$0xFFFFFF70] =	vst v2;
	v2 =	vld [tilespmem:s21+$0xFFFFFF80]  }
0x154: {  	[tilespmem:s21+$0xFFFFFF40] =	vst v9;
	v4 =	vld [tilespmem:s21+$0xFFFFFFA0]  }
0x155: {  	[tilespmem:s21+$0xFFFFFF30] =	vst v8;
	v6 =	vld [tilespmem:s21+$0xFFFFFF90]  }
0x156: {  	[tilespmem:s21+$0xFFFFFF10] =	vst v5;
	v5 =	vld [tilespmem:s21+$0xFFFFFFB0]  }
0x157: {  	v7 =	vld [tilespmem:s12+$0xFFFFFFF0]  }
0x158: {  	v8 =	vld [tilespmem:s21+$0xFFFFFFD0]  }
0x159: {  	v9 =	vld [tilespmem:s21+$0xFFFFFFC0]  }
0x15a: {  	v10 =	vld [tilespmem:s21+$0xFFFFFFE0];
	_ =	sdelay $0x1  }
0x15b: {  	v2 =	vmul.f32 v2, v7;
	v6 =	vmul.f32 v6, v7  }
0x15c: {  	v4 =	vmul.f32 v4, v7;
	v5 =	vmul.f32 v5, v7  }
0x15d: {  	v8 =	vmul.f32 v8, v7;
	[tilespmem:s21+$0xFFFFFF80] =	vst v2;
	v2 =	vmul.f32 v9, v7  }
0x15e: {  	v3 =	vmul.f32 v3, v7;
	[tilespmem:s21+$0xFFFFFF90] =	vst v6;
	v6 =	vmul.f32 v10, v7  }
0x15f: {  	[tilespmem:s21+$0xFFFFFFA0] =	vst v4  }
0x160: {  	[tilespmem:s21+$0xFFFFFFB0] =	vst v5;
	v4 =	vld [tilespmem:s21+$0x50]  }
0x161: {  	[tilespmem:s21+$0xFFFFFFF0] =	vst v3;
	v3 =	vld [tilespmem:s21+$0x40]  }
0x162: {  	[tilespmem:s21+$0xFFFFFFD0] =	vst v8;
	v5 =	vld [tilespmem:s21+$0x20]  }
0x163: {  	[tilespmem:s21+$0xFFFFFFE0] =	vst v6;
	v6 =	vld [tilespmem:s21+$0x0]  }
0x164: {  	[tilespmem:s21+$0xFFFFFFC0] =	vst v2;
	v2 =	vld [tilespmem:s21+$0x10]  }
0x165: {  	v7 =	vld [tilespmem:s12+$0x0]  }
0x166: {  	v8 =	vld [tilespmem:s21+$0x30]  }
0x167: {  	v9 =	vld [tilespmem:s21+$0x60]  }
0x168: {  	v10 =	vld [tilespmem:s21+$0x70];
	_ =	sdelay $0x1  }
0x169: {  	v6 =	vmul.f32 v6, v7;
	v11 =	vmul.f32 v2, v7  }
0x16a: {  	v2 =	vmul.f32 v5, v7;
	v5 =	vmul.f32 v8, v7  }
0x16b: {  	v3 =	vmul.f32 v3, v7;
	[tilespmem:s21+$0x0] =	vst v6;
	v6 =	vmul.f32 v9, v7  }
0x16c: {  	[tilespmem:s21+$0x20] =	vst v2;
	v2 =	vmul.f32 v4, v7;
	v4 =	vmul.f32 v10, v7  }
0x16d: {  	[tilespmem:s21+$0x40] =	vst v3  }
0x16e: {  	[tilespmem:s21+$0x50] =	vst v2  }
.Ltmp1:
0x16f: {  	[tilespmem:s21+$0x70] =	vst v4;
	(pc) =	sbr.rel @p0 .LBB2_5-.Ltmp1, $4  }
0x170: {  	[tilespmem:s21+$0x30] =	vst v5;
	v2 =	vld [tilespmem:s21+$0xE0]  }
0x171: {  	[tilespmem:s21+$0x10] =	vst v11;
	v5 =	vld [tilespmem:s21+$0x80]  }
0x172: {  	[tilespmem:s21+$0x60] =	vst v6;
	v4 =	vld [tilespmem:s21+$0x90]  }
0x173: {  	v3 =	vld [tilespmem:s12+$0x10];
	s12 =	smov.u32 s15  }
0x174: {  	_ =	sdelay $0x1  }
0x175: {  	v15 =	vld [tilespmem:s21+$0xF0]  }
0x176: {  	v6 =	vld [tilespmem:s21+$0xC0]  }
0x177: {  	v5 =	vmul.f32 v5, v3  }
0x178: {  	v0 =	vmul.f32 v0, v3  }
0x179: {  	v7 =	vld [tilespmem:s21+$0xD0];
	v1 =	vmul.f32 v1, v3;
	[tilespmem:s21+$0x80] =	vst v5  }
0x17a: {  	v19 =	vmul.f32 v15, v3;
	[tilespmem:s21+$0xA0] =	vst v0  }
0x17b: {  	v6 =	vmul.f32 v6, v3;
	v0 =	vld [tilespmem:s11+$0xA0];
	[tilespmem:s21+$0xB0] =	vst v1  }
0x17c: {  	v16 =	vmul.f32 v2, v3;
	[tilespmem:s21+$0xF0] =	vst v19  }
0x17d: {  	v4 =	vmul.f32 v4, v3;
	v17 =	vld [tilespmem:s11+$0xB0];
	[tilespmem:s21+$0xC0] =	vst v6  }
0x17e: {  	v18 =	vmul.f32 v7, v3;
	[tilespmem:s21+$0xE0] =	vst v16  }
0x17f: {  	[tilespmem:s21+$0x90] =	vst v4  }
0x180: {  	v20 =	vld [tilespmem:s11+$0xFFFFFF00];
	[tilespmem:s21+$0xD0] =	vst v18  }
0x181: {  	v1 =	vld [tilespmem:s12+$0xFFFFFFE0]  }
0x182: {  	v22 =	vld [tilespmem:s11+$0xFFFFFF60]  }
0x183: {  	v23 =	vld [tilespmem:s11+$0xFFFFFF20]  }
0x184: {  	v24 =	vld [tilespmem:s11+$0xFFFFFF50]  }
0x185: {  	v21 =	vld [tilespmem:s11+$0xFFFFFF70]  }
0x186: {  	v9 =	vld [tilespmem:s11+$0xFFFFFF40];
	v3 =	vmul.f32 v20, v1  }
0x187: {  	v8 =	vld [tilespmem:s11+$0xFFFFFF30];
	v5 =	vmul.f32 v22, v1  }
0x188: {  	v10 =	vld [tilespmem:s11+$0xFFFFFF10];
	v6 =	vmul.f32 v23, v1;
	[tilespmem:s11+$0xFFFFFF00] =	vst v3  }
0x189: {  	v25 =	vmul.f32 v24, v1;
	[tilespmem:s11+$0xFFFFFF60] =	vst v5  }
0x18a: {  	v4 =	vmul.f32 v21, v1;
	[tilespmem:s11+$0xFFFFFF20] =	vst v6  }
0x18b: {  	v26 =	vmul.f32 v9, v1;
	[tilespmem:s11+$0xFFFFFF50] =	vst v25  }
0x18c: {  	v27 =	vmul.f32 v8, v1;
	[tilespmem:s11+$0xFFFFFF70] =	vst v4  }
0x18d: {  	v1 =	vmul.f32 v10, v1;
	[tilespmem:s11+$0xFFFFFF40] =	vst v26  }
0x18e: {  	[tilespmem:s11+$0xFFFFFF30] =	vst v27  }
0x18f: {  	v28 =	vld [tilespmem:s11+$0xFFFFFF80];
	[tilespmem:s11+$0xFFFFFF10] =	vst v1  }
0x190: {  	v1 =	vld [tilespmem:s12+$0xFFFFFFF0]  }
0x191: {  	v29 =	vld [tilespmem:s11+$0xFFFFFF90]  }
0x192: {  	v30 =	vld [tilespmem:s11+$0xFFFFFFA0]  }
0x193: {  	v31 =	vld [tilespmem:s11+$0xFFFFFFB0]  }
0x194: {  	v32 =	vld [tilespmem:s11+$0xFFFFFFF0]  }
0x195: {  	v33 =	vld [tilespmem:s11+$0xFFFFFFD0];
	v3 =	vmul.f32 v28, v1  }
0x196: {  	v34 =	vld [tilespmem:s11+$0xFFFFFFE0];
	v4 =	vmul.f32 v29, v1  }
0x197: {  	v35 =	vld [tilespmem:s11+$0xFFFFFFC0];
	v5 =	vmul.f32 v30, v1;
	[tilespmem:s11+$0xFFFFFF80] =	vst v3  }
0x198: {  	v36 =	vmul.f32 v31, v1;
	[tilespmem:s11+$0xFFFFFF90] =	vst v4  }
0x199: {  	v37 =	vmul.f32 v32, v1;
	[tilespmem:s11+$0xFFFFFFA0] =	vst v5  }
0x19a: {  	v38 =	vmul.f32 v33, v1;
	[tilespmem:s11+$0xFFFFFFB0] =	vst v36  }
0x19b: {  	v39 =	vmul.f32 v34, v1;
	[tilespmem:s11+$0xFFFFFFF0] =	vst v37  }
0x19c: {  	v1 =	vmul.f32 v35, v1;
	[tilespmem:s11+$0xFFFFFFD0] =	vst v38  }
0x19d: {  	[tilespmem:s11+$0xFFFFFFE0] =	vst v39  }
0x19e: {  	v40 =	vld [tilespmem:s11+$0x0];
	[tilespmem:s11+$0xFFFFFFC0] =	vst v1  }
0x19f: {  	v1 =	vld [tilespmem:s12+$0x0]  }
0x1a0: {  	v41 =	vld [tilespmem:s11+$0x20]  }
0x1a1: {  	v42 =	vld [tilespmem:s11+$0x40]  }
0x1a2: {  	v43 =	vld [tilespmem:s11+$0x50]  }
0x1a3: {  	v44 =	vld [tilespmem:s11+$0x70]  }
0x1a4: {  	v45 =	vld [tilespmem:s11+$0x30];
	v3 =	vmul.f32 v40, v1  }
0x1a5: {  	v46 =	vld [tilespmem:s11+$0x10];
	v4 =	vmul.f32 v41, v1  }
0x1a6: {  	v47 =	vld [tilespmem:s11+$0x60];
	v48 =	vmul.f32 v42, v1;
	[tilespmem:s11+$0x0] =	vst v3  }
0x1a7: {  	v49 =	vmul.f32 v43, v1;
	[tilespmem:s11+$0x20] =	vst v4  }
0x1a8: {  	v50 =	vmul.f32 v44, v1;
	[tilespmem:s11+$0x40] =	vst v48  }
0x1a9: {  	v51 =	vmul.f32 v45, v1;
	[tilespmem:s11+$0x50] =	vst v49  }
0x1aa: {  	v52 =	vmul.f32 v46, v1;
	[tilespmem:s11+$0x70] =	vst v50  }
0x1ab: {  	v1 =	vmul.f32 v47, v1;
	[tilespmem:s11+$0x30] =	vst v51  }
0x1ac: {  	[tilespmem:s11+$0x10] =	vst v52  }
0x1ad: {  	v53 =	vld [tilespmem:s11+$0x80];
	[tilespmem:s11+$0x60] =	vst v1  }
0x1ae: {  	v1 =	vld [tilespmem:s12+$0x10];
	_ =	sdelay $0x2  }
0x1af: {  	v54 =	vld [tilespmem:s11+$0xC0]  }
0x1b0: {  	v55 =	vld [tilespmem:s11+$0xE0]  }
0x1b1: {  	v56 =	vld [tilespmem:s11+$0x90];
	v3 =	vmul.f32 v53, v1  }
0x1b2: {  	v57 =	vld [tilespmem:s11+$0xD0];
	v0 =	vmul.f32 v0, v1  }
0x1b3: {  	v58 =	vld [tilespmem:s11+$0xF0];
	v2 =	vmul.f32 v17, v1;
	[tilespmem:s11+$0x80] =	vst v3  }
0x1b4: {  	v59 =	vmul.f32 v54, v1;
	[tilespmem:s11+$0xA0] =	vst v0  }
0x1b5: {  	v60 =	vmul.f32 v55, v1;
	[tilespmem:s11+$0xB0] =	vst v2  }
0x1b6: {  	v61 =	vmul.f32 v56, v1;
	[tilespmem:s11+$0xC0] =	vst v59  }
0x1b7: {  	v62 =	vmul.f32 v57, v1;
	[tilespmem:s11+$0xE0] =	vst v60  }
0x1b8: {  	v63 =	vmul.f32 v58, v1;
	[tilespmem:s11+$0x90] =	vst v61  }
0x1b9: {  	p0 =	sne.s32 s23, $0x3;
	[tilespmem:s11+$0xD0] =	vst v62  }
.Ltmp2:
0x1ba: {  	[tilespmem:s11+$0xF0] =	vst v63;
	(pc) =	sbr.rel @p0 .LBB2_2-.Ltmp2, $4  }
0x1bb: {  	[spmem:s5] =	stream.indirect.scatter.add.f32 [tilespmem:s30], [sflag:$0x3], $0x80, s28, s24, $0xb8;
	[tilespmem:$0xC200] =	vst v63  }
0x1bc: {  	_ =	swait.ge [sflag:s18], $0x4000  }
0x1bd: {  	[sflag:s18] =	ssyncset.done $0x0  }
0x1be: {  	[sflag:s18] =	ssyncadd.s32 $0xFFFFC000  }
0x1bf: {  	[bflag:$0x0] =	sbarrier.arrive $0xFFFF  }
0x1c0: {  	s11 =	rddreg [dreg:$0xb]  }
0x1c1: {  	[hbm:s11], [sflag:s10] =	dma.local [spmem:s17], $0x600  }
0x1c2: {  	_ =	swait.ge [sflag:s18], $0x600  }
0x1c3: {  	s6 =	sadd.s32 $0x1, s6;
	s23 =	rddreg [dreg:$0xc]  }
0x1c4: {  	p0 =	sne.s32 s6, s23  }
.Ltmp3:
0x1c5: {  	_ = 	snop;
	(pc) =	sbr.rel @p0 .LBB2_1-.Ltmp3, $3  }
0x1c6: {  	_ =	sdelay $0x1  }
0x1c7: {  	[sflag:s18] =	ssyncset.done $0x0  }
0x1c8: {  	[sflag:s18] =	ssyncadd.s32 $0xFFFFFA00  }
0x1c9: {  	_ =	sfence.sel $0x180000  }
0x1ca: {  	[bflag:$0x0] =	sbarrier.arrive $0xFFFF  }
0x1cb: {  	_ =	strace $0x90000047  }
0x1cc: {  	s0 =	stileid.u32;
	[bflag:$0x2] =	sbarrier.arrive $0xFFFF  }
0x1cd: {  	p0 =	sne.s32 s0, $0x0;
	s0 =	rddreg [dreg:$0x7]  }
0x1ce: {  	s0 =	sadd.s32 @!p0 $0x100000, s0  }
0x1cf: {  	[sflag:s0] =	ssyncadd.tile.s32 @!p0 $0x1;
	_ =	shalt  }
.Lfunc_end2:
_tile_overlayer_lowered:
.L_overlay_start_2:
0x1d0: {  	(tag) =	ssettag $0x2  }
0x1d1: {  	s0 =	rddreg [dreg:$0x0];
	s2 =	stileid.u32  }
0x1d2: {  	s1 =	rddreg [dreg:$0x1];
	p0 =	sne.s32 s2, $0x0  }
0x1d3: {  	s3 =	rddreg [dreg:$0x2];
	[bflag:$0x3] =	sbarrier.arrive $0xFFFF;
	s2 =	simm.s32 @!p0 $0x1C03  }
0x1d4: {  	[timem:s3], [sflag:s2] =	dma.local @!p0 [hbm:s0], s1  }
0x1d5: {  	s0 =	simm.s32 @!p0 $0x3  }
0x1d6: {  	_ =	swait.ge @!p0 [sflag:s0], s1  }
0x1d7: {  	s1 =	ssub.s32 @!p0 $0x0, s1;
	[sflag:s0] =	ssyncset.done @!p0 $0x0  }
0x1d8: {  	[sflag:s0] =	ssyncadd.s32 @!p0 s1  }
0x1d9: {  	[bflag:$0x3] =	sbarrier.arrive $0xFFFF  }
0x1da: {  	_ =	shalt  }

</sc_bundles>
